<compile_context>
chip_gen: v7x
topology: tpu7x:2x2x1
jax: 0.10.2.dev20260603
libtpu: 0.0.44.dev20260713+nightly
codegen_flags: <defaults>
</compile_context>

<pallas_src>
import functools
import jax
import jax.numpy as jnp
from jax import lax
from jax.experimental import pallas as pl
from jax.experimental.pallas import tpu as pltpu
from jax.experimental.pallas import tpu_sc as plsc

_B, _P, _D = 64, 576, 768
_NC, _NS = 2, 16
_NW = _NC * _NS
_PW = _P // _NW
_CH = _PW * _D
_NV = _CH // 16
_NBUF = 8
_PD = 6

_mesh = plsc.VectorSubcoreMesh(core_axis_name="c", subcore_axis_name="s")


@functools.partial(
    pl.kernel,
    mesh=_mesh,
    out_type=jax.ShapeDtypeStruct((_B, _P * _D), jnp.float32),
    scratch_types=(
        [pltpu.VMEM((_CH,), jnp.float32)]
        + [pltpu.VMEM((_CH,), jnp.float32)] * _NBUF
        + [pltpu.SemaphoreType.DMA] * _NBUF
        + [pltpu.SemaphoreType.DMA] * _NBUF
    ),
)
def _sc_add(enc_hbm, pos_hbm, out_hbm, pos_v, *rest):
    bufs = rest[:_NBUF]
    sin = rest[_NBUF:2 * _NBUF]
    sout = rest[2 * _NBUF:3 * _NBUF]

    wid = lax.axis_index("s") * _NC + lax.axis_index("c")
    base = wid * _CH
    sl = pl.ds(base, _CH)
    pltpu.sync_copy(pos_hbm.at[sl], pos_v)

    for k in range(_PD):
        pltpu.async_copy(enc_hbm.at[k, sl], bufs[k], sin[k])

    def body(i, carry):
        h0 = i * _NBUF
        for k in range(_NBUF):
            h = h0 + k
            buf, si, so = bufs[k], sin[k], sout[k]
            pltpu.make_async_copy(enc_hbm.at[h, sl], buf, si).wait()

            @plsc.parallel_loop(0, _NV, step=1, unroll=8)
            def _(i2):
                s = pl.ds(i2 * 16, 16)
                buf[s] = buf[s] + pos_v[s]

            pltpu.async_copy(buf, out_hbm.at[h, sl], so)

            k2 = (k + _PD) % _NBUF
            @pl.when(h + _PD < _B)
            def _():
                @pl.when(h >= 2)
                def _():
                    pltpu.make_async_copy(
                        bufs[k2], out_hbm.at[h - 2, sl], sout[k2]
                    ).wait()

                pltpu.async_copy(enc_hbm.at[h + _PD, sl], bufs[k2], sin[k2])
        return carry

    lax.fori_loop(0, _B // _NBUF, body, 0)

    for t in range(_NBUF):
        h = _B - _NBUF + t
        k = h % _NBUF
        pltpu.make_async_copy(bufs[k], out_hbm.at[h, sl], sout[k]).wait()


def kernel(encoded_patches, pos_table):
    enc2 = encoded_patches.reshape(_B, _P * _D)
    pos1 = pos_table.reshape(_P * _D)
    out = _sc_add(enc2, pos1)
    return out.reshape(_B, _P, _D)

# --- scband reference (transcript-rebuilt; emitter-appended) ---
"""Pipeline reference for scband-patch-encoder-32349693673777 (READ-ONLY COPY).

The authoritative reference and input builder live on the scoring server;
editing this copy changes nothing except your own understanding.
"""

import jax, jax.numpy as jnp
import numpy as np

NUM_PATCHES = 576
PROJ_DIM = 768
BATCH = 64

def setup_inputs(seed: int = 0) -> dict:
    key = jax.random.key(seed)
    k1, k2 = jax.random.split(key)
    encoded_patches = jax.random.normal(k1, (BATCH, NUM_PATCHES, PROJ_DIM), dtype=jnp.float32)
    # Embedding table for position embeddings (keras default uniform init)
    pos_table = jax.random.uniform(k2, (NUM_PATCHES, PROJ_DIM), dtype=jnp.float32, minval=-0.05, maxval=0.05)
    return {"encoded_patches": encoded_patches, "pos_table": pos_table}

def reference(encoded_patches, pos_table):
    positions = jnp.arange(NUM_PATCHES)
    encoded_positions = jnp.take(pos_table, positions, axis=0)  # embedding lookup
    return encoded_patches + encoded_positions[None, :, :]

if __name__ == "__main__":
    import jax
    _d = setup_inputs()
    print(jax.jit(kernel)(*tuple(_d.values())))

</pallas_src>

<mosaic_0001>
#map = affine_map<(d0, d1) -> (0, 0)>
#map1 = affine_map<(d0, d1) -> (0)>
module attributes {stable_mosaic.version = 14 : i64} {
  func.func @_sc_add(%arg0: i32, %arg1: i32, %arg2: memref<64x442368xf32, #tpu.memory_space<hbm>>, %arg3: memref<442368xf32, #tpu.memory_space<hbm>>, %arg4: memref<64x442368xf32, #tpu.memory_space<hbm>>, %arg5: memref<13824xf32, #tpu.memory_space<vmem>>, %arg6: memref<13824xf32, #tpu.memory_space<vmem>>, %arg7: memref<13824xf32, #tpu.memory_space<vmem>>, %arg8: memref<13824xf32, #tpu.memory_space<vmem>>, %arg9: memref<13824xf32, #tpu.memory_space<vmem>>, %arg10: memref<13824xf32, #tpu.memory_space<vmem>>, %arg11: memref<13824xf32, #tpu.memory_space<vmem>>, %arg12: memref<13824xf32, #tpu.memory_space<vmem>>, %arg13: memref<13824xf32, #tpu.memory_space<vmem>>, %arg14: memref<!tpu.dma_semaphore, #tpu.memory_space<semaphore_mem>>, %arg15: memref<!tpu.dma_semaphore, #tpu.memory_space<semaphore_mem>>, %arg16: memref<!tpu.dma_semaphore, #tpu.memory_space<semaphore_mem>>, %arg17: memref<!tpu.dma_semaphore, #tpu.memory_space<semaphore_mem>>, %arg18: memref<!tpu.dma_semaphore, #tpu.memory_space<semaphore_mem>>, %arg19: memref<!tpu.dma_semaphore, #tpu.memory_space<semaphore_mem>>, %arg20: memref<!tpu.dma_semaphore, #tpu.memory_space<semaphore_mem>>, %arg21: memref<!tpu.dma_semaphore, #tpu.memory_space<semaphore_mem>>, %arg22: memref<!tpu.dma_semaphore, #tpu.memory_space<semaphore_mem>>, %arg23: memref<!tpu.dma_semaphore, #tpu.memory_space<semaphore_mem>>, %arg24: memref<!tpu.dma_semaphore, #tpu.memory_space<semaphore_mem>>, %arg25: memref<!tpu.dma_semaphore, #tpu.memory_space<semaphore_mem>>, %arg26: memref<!tpu.dma_semaphore, #tpu.memory_space<semaphore_mem>>, %arg27: memref<!tpu.dma_semaphore, #tpu.memory_space<semaphore_mem>>, %arg28: memref<!tpu.dma_semaphore, #tpu.memory_space<semaphore_mem>>, %arg29: memref<!tpu.dma_semaphore, #tpu.memory_space<semaphore_mem>>) attributes {dimension_semantics = [#tpu.dimension_semantics<core_parallel>, #tpu.dimension_semantics<subcore_parallel>], iteration_bounds = array<i64: 2, 16>, scalar_prefetch = 0 : i64, scratch_operands = 25 : i64, tpu.core_type = #tpu.core_type<sc_vector_subcore>, window_params = [{transform_indices = #map}, {transform_indices = #map1}, {transform_indices = #map}]} {
    %mul3A = arith.constant 2 : i32
    %mul3A_0 = arith.muli %arg1, %mul3A : i32
    %add3A = arith.addi %mul3A_0, %arg0 : i32
    %mul3A_1 = arith.constant 13824 : i32
    %mul3A_2 = arith.muli %add3A, %mul3A_1 : i32
    "tpu.region"() ({
      %run_scoped3A = tpu.sem_alloc : memref<!tpu.dma_semaphore, #tpu.memory_space<semaphore_mem>>
      %dma_start3A_76 = tpu.memref_slice %arg3[%mul3A_2] : memref<442368xf32, #tpu.memory_space<hbm>> -> memref<13824xf32, #tpu.memory_space<hbm>>
      %dma_start3A_77 = tpu.memref_slice %arg3[%mul3A_2] : memref<442368xf32, #tpu.memory_space<hbm>> -> memref<13824xf32, #tpu.memory_space<hbm>>
      tpu.enqueue_dma source(%dma_start3A_77 : memref<13824xf32, #tpu.memory_space<hbm>>) target(%arg5 : memref<13824xf32, #tpu.memory_space<vmem>>) target_semaphore(%run_scoped3A : memref<!tpu.dma_semaphore, #tpu.memory_space<semaphore_mem>>)
      %dma_wait3A_78 = tpu.memref_slice %arg3[%mul3A_2] : memref<442368xf32, #tpu.memory_space<hbm>> -> memref<13824xf32, #tpu.memory_space<hbm>>
      %dma_wait3A_79 = tpu.memref_slice %arg3[%mul3A_2] : memref<442368xf32, #tpu.memory_space<hbm>> -> memref<13824xf32, #tpu.memory_space<hbm>>
      tpu.wait_dma2 semaphore(%run_scoped3A : memref<!tpu.dma_semaphore, #tpu.memory_space<semaphore_mem>>) src(%dma_wait3A_79 : memref<13824xf32, #tpu.memory_space<hbm>>) dst(%arg5 : memref<13824xf32, #tpu.memory_space<vmem>>)
      tpu.yield
    }) : () -> ()
    %dma_start3A = arith.constant 0 : i32
    %dma_start3A_3 = tpu.memref_slice %arg2[%dma_start3A, %mul3A_2] : memref<64x442368xf32, #tpu.memory_space<hbm>> -> memref<1x13824xf32, #tpu.memory_space<hbm>>
    %dma_start3A_4 = tpu.memref_squeeze %dma_start3A_3 : memref<1x13824xf32, #tpu.memory_space<hbm>> -> memref<13824xf32, #tpu.memory_space<hbm>>
    %dma_start3A_5 = tpu.memref_slice %arg2[%dma_start3A, %mul3A_2] : memref<64x442368xf32, #tpu.memory_space<hbm>> -> memref<1x13824xf32, #tpu.memory_space<hbm>>
    %dma_start3A_6 = tpu.memref_squeeze %dma_start3A_5 : memref<1x13824xf32, #tpu.memory_space<hbm>> -> memref<13824xf32, #tpu.memory_space<hbm>>
    tpu.enqueue_dma source(%dma_start3A_6 : memref<13824xf32, #tpu.memory_space<hbm>>) target(%arg6 : memref<13824xf32, #tpu.memory_space<vmem>>) target_semaphore(%arg14 : memref<!tpu.dma_semaphore, #tpu.memory_space<semaphore_mem>>)
    %dma_start3A_7 = arith.constant 1 : i32
    %dma_start3A_8 = tpu.memref_slice %arg2[%dma_start3A_7, %mul3A_2] : memref<64x442368xf32, #tpu.memory_space<hbm>> -> memref<1x13824xf32, #tpu.memory_space<hbm>>
    %dma_start3A_9 = tpu.memref_squeeze %dma_start3A_8 : memref<1x13824xf32, #tpu.memory_space<hbm>> -> memref<13824xf32, #tpu.memory_space<hbm>>
    %dma_start3A_10 = tpu.memref_slice %arg2[%dma_start3A_7, %mul3A_2] : memref<64x442368xf32, #tpu.memory_space<hbm>> -> memref<1x13824xf32, #tpu.memory_space<hbm>>
    %dma_start3A_11 = tpu.memref_squeeze %dma_start3A_10 : memref<1x13824xf32, #tpu.memory_space<hbm>> -> memref<13824xf32, #tpu.memory_space<hbm>>
    tpu.enqueue_dma source(%dma_start3A_11 : memref<13824xf32, #tpu.memory_space<hbm>>) target(%arg7 : memref<13824xf32, #tpu.memory_space<vmem>>) target_semaphore(%arg15 : memref<!tpu.dma_semaphore, #tpu.memory_space<semaphore_mem>>)
    %dma_start3A_12 = arith.constant 2 : i32
    %dma_start3A_13 = tpu.memref_slice %arg2[%dma_start3A_12, %mul3A_2] : memref<64x442368xf32, #tpu.memory_space<hbm>> -> memref<1x13824xf32, #tpu.memory_space<hbm>>
    %dma_start3A_14 = tpu.memref_squeeze %dma_start3A_13 : memref<1x13824xf32, #tpu.memory_space<hbm>> -> memref<13824xf32, #tpu.memory_space<hbm>>
    %dma_start3A_15 = tpu.memref_slice %arg2[%dma_start3A_12, %mul3A_2] : memref<64x442368xf32, #tpu.memory_space<hbm>> -> memref<1x13824xf32, #tpu.memory_space<hbm>>
    %dma_start3A_16 = tpu.memref_squeeze %dma_start3A_15 : memref<1x13824xf32, #tpu.memory_space<hbm>> -> memref<13824xf32, #tpu.memory_space<hbm>>
    tpu.enqueue_dma source(%dma_start3A_16 : memref<13824xf32, #tpu.memory_space<hbm>>) target(%arg8 : memref<13824xf32, #tpu.memory_space<vmem>>) target_semaphore(%arg16 : memref<!tpu.dma_semaphore, #tpu.memory_space<semaphore_mem>>)
    %dma_start3A_17 = arith.constant 3 : i32
    %dma_start3A_18 = tpu.memref_slice %arg2[%dma_start3A_17, %mul3A_2] : memref<64x442368xf32, #tpu.memory_space<hbm>> -> memref<1x13824xf32, #tpu.memory_space<hbm>>
    %dma_start3A_19 = tpu.memref_squeeze %dma_start3A_18 : memref<1x13824xf32, #tpu.memory_space<hbm>> -> memref<13824xf32, #tpu.memory_space<hbm>>
    %dma_start3A_20 = tpu.memref_slice %arg2[%dma_start3A_17, %mul3A_2] : memref<64x442368xf32, #tpu.memory_space<hbm>> -> memref<1x13824xf32, #tpu.memory_space<hbm>>
    %dma_start3A_21 = tpu.memref_squeeze %dma_start3A_20 : memref<1x13824xf32, #tpu.memory_space<hbm>> -> memref<13824xf32, #tpu.memory_space<hbm>>
    tpu.enqueue_dma source(%dma_start3A_21 : memref<13824xf32, #tpu.memory_space<hbm>>) target(%arg9 : memref<13824xf32, #tpu.memory_space<vmem>>) target_semaphore(%arg17 : memref<!tpu.dma_semaphore, #tpu.memory_space<semaphore_mem>>)
    %dma_start3A_22 = arith.constant 4 : i32
    %dma_start3A_23 = tpu.memref_slice %arg2[%dma_start3A_22, %mul3A_2] : memref<64x442368xf32, #tpu.memory_space<hbm>> -> memref<1x13824xf32, #tpu.memory_space<hbm>>
    %dma_start3A_24 = tpu.memref_squeeze %dma_start3A_23 : memref<1x13824xf32, #tpu.memory_space<hbm>> -> memref<13824xf32, #tpu.memory_space<hbm>>
    %dma_start3A_25 = tpu.memref_slice %arg2[%dma_start3A_22, %mul3A_2] : memref<64x442368xf32, #tpu.memory_space<hbm>> -> memref<1x13824xf32, #tpu.memory_space<hbm>>
    %dma_start3A_26 = tpu.memref_squeeze %dma_start3A_25 : memref<1x13824xf32, #tpu.memory_space<hbm>> -> memref<13824xf32, #tpu.memory_space<hbm>>
    tpu.enqueue_dma source(%dma_start3A_26 : memref<13824xf32, #tpu.memory_space<hbm>>) target(%arg10 : memref<13824xf32, #tpu.memory_space<vmem>>) target_semaphore(%arg18 : memref<!tpu.dma_semaphore, #tpu.memory_space<semaphore_mem>>)
    %dma_start3A_27 = arith.constant 5 : i32
    %dma_start3A_28 = tpu.memref_slice %arg2[%dma_start3A_27, %mul3A_2] : memref<64x442368xf32, #tpu.memory_space<hbm>> -> memref<1x13824xf32, #tpu.memory_space<hbm>>
    %dma_start3A_29 = tpu.memref_squeeze %dma_start3A_28 : memref<1x13824xf32, #tpu.memory_space<hbm>> -> memref<13824xf32, #tpu.memory_space<hbm>>
    %dma_start3A_30 = tpu.memref_slice %arg2[%dma_start3A_27, %mul3A_2] : memref<64x442368xf32, #tpu.memory_space<hbm>> -> memref<1x13824xf32, #tpu.memory_space<hbm>>
    %dma_start3A_31 = tpu.memref_squeeze %dma_start3A_30 : memref<1x13824xf32, #tpu.memory_space<hbm>> -> memref<13824xf32, #tpu.memory_space<hbm>>
    tpu.enqueue_dma source(%dma_start3A_31 : memref<13824xf32, #tpu.memory_space<hbm>>) target(%arg11 : memref<13824xf32, #tpu.memory_space<vmem>>) target_semaphore(%arg19 : memref<!tpu.dma_semaphore, #tpu.memory_space<semaphore_mem>>)
    %scan3A = arith.constant 0 : i32
    %scan3A_32 = arith.constant 0 : i32
    %scan3A_33 = arith.constant 8 : i32
    %scan3A_34 = arith.addi %scan3A_32, %scan3A_33 : i32
    %scan3A_35 = arith.constant 1 : i32
    scf.for %scan3A_76 = %scan3A_32 to %scan3A_34 step %scan3A_35  : i32 {
      %mul3A_77 = arith.constant 8 : i32
      %mul3A_78 = arith.muli %scan3A_76, %mul3A_77 : i32
      %add3A_79 = arith.constant 0 : i32
      %add3A_80 = arith.addi %mul3A_78, %add3A_79 : i32
      %dma_wait3A_81 = tpu.memref_slice %arg2[%add3A_80, %mul3A_2] : memref<64x442368xf32, #tpu.memory_space<hbm>> -> memref<1x13824xf32, #tpu.memory_space<hbm>>
      %dma_wait3A_82 = tpu.memref_squeeze %dma_wait3A_81 : memref<1x13824xf32, #tpu.memory_space<hbm>> -> memref<13824xf32, #tpu.memory_space<hbm>>
      %dma_wait3A_83 = tpu.memref_slice %arg2[%add3A_80, %mul3A_2] : memref<64x442368xf32, #tpu.memory_space<hbm>> -> memref<1x13824xf32, #tpu.memory_space<hbm>>
      %dma_wait3A_84 = tpu.memref_squeeze %dma_wait3A_83 : memref<1x13824xf32, #tpu.memory_space<hbm>> -> memref<13824xf32, #tpu.memory_space<hbm>>
      tpu.wait_dma2 semaphore(%arg14 : memref<!tpu.dma_semaphore, #tpu.memory_space<semaphore_mem>>) src(%dma_wait3A_84 : memref<13824xf32, #tpu.memory_space<hbm>>) dst(%arg6 : memref<13824xf32, #tpu.memory_space<vmem>>)
      %parallel_loop3A = arith.constant 0 : i32
      %parallel_loop3A_85 = arith.constant 864 : i32
      %parallel_loop3A_86 = arith.constant 1 : i32
      scf.for %parallel_loop3A_235 = %parallel_loop3A to %parallel_loop3A_85 step %parallel_loop3A_86  : i32 {
        %parallel_loop3A_236 = arith.constant 16 : i32
        %parallel_loop3A_237 = arith.muli %parallel_loop3A_235, %parallel_loop3A_236 : i32
        %parallel_loop3A_238 = arith.index_cast %parallel_loop3A_237 : i32 to index
        %parallel_loop3A_239 = tpu.vector_load %arg6[%parallel_loop3A_238] {strides = array<i32>} : memref<13824xf32, #tpu.memory_space<vmem>>, vector<16xf32>,
        %parallel_loop3A_240 = vector.shape_cast %parallel_loop3A_239 : vector<16xf32> to vector<16xf32>
        %parallel_loop3A_241 = arith.index_cast %parallel_loop3A_237 : i32 to index
        %parallel_loop3A_242 = tpu.vector_load %arg5[%parallel_loop3A_241] {strides = array<i32>} : memref<13824xf32, #tpu.memory_space<vmem>>, vector<16xf32>,
        %parallel_loop3A_243 = vector.shape_cast %parallel_loop3A_242 : vector<16xf32> to vector<16xf32>
        %parallel_loop3A_244 = arith.addf %parallel_loop3A_240, %parallel_loop3A_243 : vector<16xf32>
        %parallel_loop3A_245 = arith.index_cast %parallel_loop3A_237 : i32 to index
        %parallel_loop3A_246 = tpu.vector_load %arg6[%parallel_loop3A_245] {strides = array<i32>} : memref<13824xf32, #tpu.memory_space<vmem>>, vector<16xf32>,
        %parallel_loop3A_247 = vector.shape_cast %parallel_loop3A_246 : vector<16xf32> to vector<16xf32>
        %parallel_loop3A_248 = vector.shape_cast %parallel_loop3A_244 : vector<16xf32> to vector<16xf32>
        tpu.vector_store %arg6[%parallel_loop3A_245], %parallel_loop3A_248 {strides = array<i32>} : memref<13824xf32, #tpu.memory_space<vmem>>, vector<16xf32>,
      } {sc.loop_unroll_factor = 8 : i64, sc.parallel_access}
      %dma_start3A_87 = tpu.memref_slice %arg4[%add3A_80, %mul3A_2] : memref<64x442368xf32, #tpu.memory_space<hbm>> -> memref<1x13824xf32, #tpu.memory_space<hbm>>
      %dma_start3A_88 = tpu.memref_squeeze %dma_start3A_87 : memref<1x13824xf32, #tpu.memory_space<hbm>> -> memref<13824xf32, #tpu.memory_space<hbm>>
      %dma_start3A_89 = tpu.memref_slice %arg4[%add3A_80, %mul3A_2] : memref<64x442368xf32, #tpu.memory_space<hbm>> -> memref<1x13824xf32, #tpu.memory_space<hbm>>
      %dma_start3A_90 = tpu.memref_squeeze %dma_start3A_89 : memref<1x13824xf32, #tpu.memory_space<hbm>> -> memref<13824xf32, #tpu.memory_space<hbm>>
      tpu.enqueue_dma source(%arg6 : memref<13824xf32, #tpu.memory_space<vmem>>) target(%dma_start3A_90 : memref<13824xf32, #tpu.memory_space<hbm>>) target_semaphore(%arg22 : memref<!tpu.dma_semaphore, #tpu.memory_space<semaphore_mem>>)
      %add3A_91 = arith.constant 6 : i32
      %add3A_92 = arith.addi %add3A_80, %add3A_91 : i32
      %lt3A = arith.constant 64 : i32
      %lt3A_93 = arith.cmpi slt, %add3A_92, %lt3A : i32
      %convert_element_type3A = arith.extui %lt3A_93 : i1 to i32
      %cond3A = arith.constant 0 : i32
      %cond3A_94 = arith.cmpi ne, %convert_element_type3A, %cond3A : i32
      scf.if %cond3A_94 {
        %ge3A = arith.constant 2 : i32
        %ge3A_235 = arith.cmpi sge, %add3A_80, %ge3A : i32
        %convert_element_type3A_236 = arith.extui %ge3A_235 : i1 to i32
        %cond3A_237 = arith.constant 0 : i32
        %cond3A_238 = arith.cmpi ne, %convert_element_type3A_236, %cond3A_237 : i32
        scf.if %cond3A_238 {
          %sub3A = arith.constant 2 : i32
          %sub3A_245 = arith.subi %add3A_80, %sub3A : i32
          %dma_wait3A_246 = tpu.memref_slice %arg4[%sub3A_245, %mul3A_2] : memref<64x442368xf32, #tpu.memory_space<hbm>> -> memref<1x13824xf32, #tpu.memory_space<hbm>>
          %dma_wait3A_247 = tpu.memref_squeeze %dma_wait3A_246 : memref<1x13824xf32, #tpu.memory_space<hbm>> -> memref<13824xf32, #tpu.memory_space<hbm>>
          %dma_wait3A_248 = tpu.memref_slice %arg4[%sub3A_245, %mul3A_2] : memref<64x442368xf32, #tpu.memory_space<hbm>> -> memref<1x13824xf32, #tpu.memory_space<hbm>>
          %dma_wait3A_249 = tpu.memref_squeeze %dma_wait3A_248 : memref<1x13824xf32, #tpu.memory_space<hbm>> -> memref<13824xf32, #tpu.memory_space<hbm>>
          tpu.wait_dma2 semaphore(%arg28 : memref<!tpu.dma_semaphore, #tpu.memory_space<semaphore_mem>>) src(%arg12 : memref<13824xf32, #tpu.memory_space<vmem>>) dst(%dma_wait3A_249 : memref<13824xf32, #tpu.memory_space<hbm>>)
        } else {
        }
        %add3A_239 = arith.constant 6 : i32
        %add3A_240 = arith.addi %add3A_80, %add3A_239 : i32
        %dma_start3A_241 = tpu.memref_slice %arg2[%add3A_240, %mul3A_2] : memref<64x442368xf32, #tpu.memory_space<hbm>> -> memref<1x13824xf32, #tpu.memory_space<hbm>>
        %dma_start3A_242 = tpu.memref_squeeze %dma_start3A_241 : memref<1x13824xf32, #tpu.memory_space<hbm>> -> memref<13824xf32, #tpu.memory_space<hbm>>
        %dma_start3A_243 = tpu.memref_slice %arg2[%add3A_240, %mul3A_2] : memref<64x442368xf32, #tpu.memory_space<hbm>> -> memref<1x13824xf32, #tpu.memory_space<hbm>>
        %dma_start3A_244 = tpu.memref_squeeze %dma_start3A_243 : memref<1x13824xf32, #tpu.memory_space<hbm>> -> memref<13824xf32, #tpu.memory_space<hbm>>
        tpu.enqueue_dma source(%dma_start3A_244 : memref<13824xf32, #tpu.memory_space<hbm>>) target(%arg12 : memref<13824xf32, #tpu.memory_space<vmem>>) target_semaphore(%arg20 : memref<!tpu.dma_semaphore, #tpu.memory_space<semaphore_mem>>)
      } else {
      }
      %add3A_95 = arith.constant 1 : i32
      %add3A_96 = arith.addi %mul3A_78, %add3A_95 : i32
      %dma_wait3A_97 = tpu.memref_slice %arg2[%add3A_96, %mul3A_2] : memref<64x442368xf32, #tpu.memory_space<hbm>> -> memref<1x13824xf32, #tpu.memory_space<hbm>>
      %dma_wait3A_98 = tpu.memref_squeeze %dma_wait3A_97 : memref<1x13824xf32, #tpu.memory_space<hbm>> -> memref<13824xf32, #tpu.memory_space<hbm>>
      %dma_wait3A_99 = tpu.memref_slice %arg2[%add3A_96, %mul3A_2] : memref<64x442368xf32, #tpu.memory_space<hbm>> -> memref<1x13824xf32, #tpu.memory_space<hbm>>
      %dma_wait3A_100 = tpu.memref_squeeze %dma_wait3A_99 : memref<1x13824xf32, #tpu.memory_space<hbm>> -> memref<13824xf32, #tpu.memory_space<hbm>>
      tpu.wait_dma2 semaphore(%arg15 : memref<!tpu.dma_semaphore, #tpu.memory_space<semaphore_mem>>) src(%dma_wait3A_100 : memref<13824xf32, #tpu.memory_space<hbm>>) dst(%arg7 : memref<13824xf32, #tpu.memory_space<vmem>>)
      %parallel_loop3A_101 = arith.constant 0 : i32
      %parallel_loop3A_102 = arith.constant 864 : i32
      %parallel_loop3A_103 = arith.constant 1 : i32
      scf.for %parallel_loop3A_235 = %parallel_loop3A_101 to %parallel_loop3A_102 step %parallel_loop3A_103  : i32 {
        %parallel_loop3A_236 = arith.constant 16 : i32
        %parallel_loop3A_237 = arith.muli %parallel_loop3A_235, %parallel_loop3A_236 : i32
        %parallel_loop3A_238 = arith.index_cast %parallel_loop3A_237 : i32 to index
        %parallel_loop3A_239 = tpu.vector_load %arg7[%parallel_loop3A_238] {strides = array<i32>} : memref<13824xf32, #tpu.memory_space<vmem>>, vector<16xf32>,
        %parallel_loop3A_240 = vector.shape_cast %parallel_loop3A_239 : vector<16xf32> to vector<16xf32>
        %parallel_loop3A_241 = arith.index_cast %parallel_loop3A_237 : i32 to index
        %parallel_loop3A_242 = tpu.vector_load %arg5[%parallel_loop3A_241] {strides = array<i32>} : memref<13824xf32, #tpu.memory_space<vmem>>, vector<16xf32>,
        %parallel_loop3A_243 = vector.shape_cast %parallel_loop3A_242 : vector<16xf32> to vector<16xf32>
        %parallel_loop3A_244 = arith.addf %parallel_loop3A_240, %parallel_loop3A_243 : vector<16xf32>
        %parallel_loop3A_245 = arith.index_cast %parallel_loop3A_237 : i32 to index
        %parallel_loop3A_246 = tpu.vector_load %arg7[%parallel_loop3A_245] {strides = array<i32>} : memref<13824xf32, #tpu.memory_space<vmem>>, vector<16xf32>,
        %parallel_loop3A_247 = vector.shape_cast %parallel_loop3A_246 : vector<16xf32> to vector<16xf32>
        %parallel_loop3A_248 = vector.shape_cast %parallel_loop3A_244 : vector<16xf32> to vector<16xf32>
        tpu.vector_store %arg7[%parallel_loop3A_245], %parallel_loop3A_248 {strides = array<i32>} : memref<13824xf32, #tpu.memory_space<vmem>>, vector<16xf32>,
      } {sc.loop_unroll_factor = 8 : i64, sc.parallel_access}
      %dma_start3A_104 = tpu.memref_slice %arg4[%add3A_96, %mul3A_2] : memref<64x442368xf32, #tpu.memory_space<hbm>> -> memref<1x13824xf32, #tpu.memory_space<hbm>>
      %dma_start3A_105 = tpu.memref_squeeze %dma_start3A_104 : memref<1x13824xf32, #tpu.memory_space<hbm>> -> memref<13824xf32, #tpu.memory_space<hbm>>
      %dma_start3A_106 = tpu.memref_slice %arg4[%add3A_96, %mul3A_2] : memref<64x442368xf32, #tpu.memory_space<hbm>> -> memref<1x13824xf32, #tpu.memory_space<hbm>>
      %dma_start3A_107 = tpu.memref_squeeze %dma_start3A_106 : memref<1x13824xf32, #tpu.memory_space<hbm>> -> memref<13824xf32, #tpu.memory_space<hbm>>
      tpu.enqueue_dma source(%arg7 : memref<13824xf32, #tpu.memory_space<vmem>>) target(%dma_start3A_107 : memref<13824xf32, #tpu.memory_space<hbm>>) target_semaphore(%arg23 : memref<!tpu.dma_semaphore, #tpu.memory_space<semaphore_mem>>)
      %add3A_108 = arith.constant 6 : i32
      %add3A_109 = arith.addi %add3A_96, %add3A_108 : i32
      %lt3A_110 = arith.constant 64 : i32
      %lt3A_111 = arith.cmpi slt, %add3A_109, %lt3A_110 : i32
      %convert_element_type3A_112 = arith.extui %lt3A_111 : i1 to i32
      %cond3A_113 = arith.constant 0 : i32
      %cond3A_114 = arith.cmpi ne, %convert_element_type3A_112, %cond3A_113 : i32
      scf.if %cond3A_114 {
        %ge3A = arith.constant 2 : i32
        %ge3A_235 = arith.cmpi sge, %add3A_96, %ge3A : i32
        %convert_element_type3A_236 = arith.extui %ge3A_235 : i1 to i32
        %cond3A_237 = arith.constant 0 : i32
        %cond3A_238 = arith.cmpi ne, %convert_element_type3A_236, %cond3A_237 : i32
        scf.if %cond3A_238 {
          %sub3A = arith.constant 2 : i32
          %sub3A_245 = arith.subi %add3A_96, %sub3A : i32
          %dma_wait3A_246 = tpu.memref_slice %arg4[%sub3A_245, %mul3A_2] : memref<64x442368xf32, #tpu.memory_space<hbm>> -> memref<1x13824xf32, #tpu.memory_space<hbm>>
          %dma_wait3A_247 = tpu.memref_squeeze %dma_wait3A_246 : memref<1x13824xf32, #tpu.memory_space<hbm>> -> memref<13824xf32, #tpu.memory_space<hbm>>
          %dma_wait3A_248 = tpu.memref_slice %arg4[%sub3A_245, %mul3A_2] : memref<64x442368xf32, #tpu.memory_space<hbm>> -> memref<1x13824xf32, #tpu.memory_space<hbm>>
          %dma_wait3A_249 = tpu.memref_squeeze %dma_wait3A_248 : memref<1x13824xf32, #tpu.memory_space<hbm>> -> memref<13824xf32, #tpu.memory_space<hbm>>
          tpu.wait_dma2 semaphore(%arg29 : memref<!tpu.dma_semaphore, #tpu.memory_space<semaphore_mem>>) src(%arg13 : memref<13824xf32, #tpu.memory_space<vmem>>) dst(%dma_wait3A_249 : memref<13824xf32, #tpu.memory_space<hbm>>)
        } else {
        }
        %add3A_239 = arith.constant 6 : i32
        %add3A_240 = arith.addi %add3A_96, %add3A_239 : i32
        %dma_start3A_241 = tpu.memref_slice %arg2[%add3A_240, %mul3A_2] : memref<64x442368xf32, #tpu.memory_space<hbm>> -> memref<1x13824xf32, #tpu.memory_space<hbm>>
        %dma_start3A_242 = tpu.memref_squeeze %dma_start3A_241 : memref<1x13824xf32, #tpu.memory_space<hbm>> -> memref<13824xf32, #tpu.memory_space<hbm>>
        %dma_start3A_243 = tpu.memref_slice %arg2[%add3A_240, %mul3A_2] : memref<64x442368xf32, #tpu.memory_space<hbm>> -> memref<1x13824xf32, #tpu.memory_space<hbm>>
        %dma_start3A_244 = tpu.memref_squeeze %dma_start3A_243 : memref<1x13824xf32, #tpu.memory_space<hbm>> -> memref<13824xf32, #tpu.memory_space<hbm>>
        tpu.enqueue_dma source(%dma_start3A_244 : memref<13824xf32, #tpu.memory_space<hbm>>) target(%arg13 : memref<13824xf32, #tpu.memory_space<vmem>>) target_semaphore(%arg21 : memref<!tpu.dma_semaphore, #tpu.memory_space<semaphore_mem>>)
      } else {
      }
      %add3A_115 = arith.constant 2 : i32
      %add3A_116 = arith.addi %mul3A_78, %add3A_115 : i32
      %dma_wait3A_117 = tpu.memref_slice %arg2[%add3A_116, %mul3A_2] : memref<64x442368xf32, #tpu.memory_space<hbm>> -> memref<1x13824xf32, #tpu.memory_space<hbm>>
      %dma_wait3A_118 = tpu.memref_squeeze %dma_wait3A_117 : memref<1x13824xf32, #tpu.memory_space<hbm>> -> memref<13824xf32, #tpu.memory_space<hbm>>
      %dma_wait3A_119 = tpu.memref_slice %arg2[%add3A_116, %mul3A_2] : memref<64x442368xf32, #tpu.memory_space<hbm>> -> memref<1x13824xf32, #tpu.memory_space<hbm>>
      %dma_wait3A_120 = tpu.memref_squeeze %dma_wait3A_119 : memref<1x13824xf32, #tpu.memory_space<hbm>> -> memref<13824xf32, #tpu.memory_space<hbm>>
      tpu.wait_dma2 semaphore(%arg16 : memref<!tpu.dma_semaphore, #tpu.memory_space<semaphore_mem>>) src(%dma_wait3A_120 : memref<13824xf32, #tpu.memory_space<hbm>>) dst(%arg8 : memref<13824xf32, #tpu.memory_space<vmem>>)
      %parallel_loop3A_121 = arith.constant 0 : i32
      %parallel_loop3A_122 = arith.constant 864 : i32
      %parallel_loop3A_123 = arith.constant 1 : i32
      scf.for %parallel_loop3A_235 = %parallel_loop3A_121 to %parallel_loop3A_122 step %parallel_loop3A_123  : i32 {
        %parallel_loop3A_236 = arith.constant 16 : i32
        %parallel_loop3A_237 = arith.muli %parallel_loop3A_235, %parallel_loop3A_236 : i32
        %parallel_loop3A_238 = arith.index_cast %parallel_loop3A_237 : i32 to index
        %parallel_loop3A_239 = tpu.vector_load %arg8[%parallel_loop3A_238] {strides = array<i32>} : memref<13824xf32, #tpu.memory_space<vmem>>, vector<16xf32>,
        %parallel_loop3A_240 = vector.shape_cast %parallel_loop3A_239 : vector<16xf32> to vector<16xf32>
        %parallel_loop3A_241 = arith.index_cast %parallel_loop3A_237 : i32 to index
        %parallel_loop3A_242 = tpu.vector_load %arg5[%parallel_loop3A_241] {strides = array<i32>} : memref<13824xf32, #tpu.memory_space<vmem>>, vector<16xf32>,
        %parallel_loop3A_243 = vector.shape_cast %parallel_loop3A_242 : vector<16xf32> to vector<16xf32>
        %parallel_loop3A_244 = arith.addf %parallel_loop3A_240, %parallel_loop3A_243 : vector<16xf32>
        %parallel_loop3A_245 = arith.index_cast %parallel_loop3A_237 : i32 to index
        %parallel_loop3A_246 = tpu.vector_load %arg8[%parallel_loop3A_245] {strides = array<i32>} : memref<13824xf32, #tpu.memory_space<vmem>>, vector<16xf32>,
        %parallel_loop3A_247 = vector.shape_cast %parallel_loop3A_246 : vector<16xf32> to vector<16xf32>
        %parallel_loop3A_248 = vector.shape_cast %parallel_loop3A_244 : vector<16xf32> to vector<16xf32>
        tpu.vector_store %arg8[%parallel_loop3A_245], %parallel_loop3A_248 {strides = array<i32>} : memref<13824xf32, #tpu.memory_space<vmem>>, vector<16xf32>,
      } {sc.loop_unroll_factor = 8 : i64, sc.parallel_access}
      %dma_start3A_124 = tpu.memref_slice %arg4[%add3A_116, %mul3A_2] : memref<64x442368xf32, #tpu.memory_space<hbm>> -> memref<1x13824xf32, #tpu.memory_space<hbm>>
      %dma_start3A_125 = tpu.memref_squeeze %dma_start3A_124 : memref<1x13824xf32, #tpu.memory_space<hbm>> -> memref<13824xf32, #tpu.memory_space<hbm>>
      %dma_start3A_126 = tpu.memref_slice %arg4[%add3A_116, %mul3A_2] : memref<64x442368xf32, #tpu.memory_space<hbm>> -> memref<1x13824xf32, #tpu.memory_space<hbm>>
      %dma_start3A_127 = tpu.memref_squeeze %dma_start3A_126 : memref<1x13824xf32, #tpu.memory_space<hbm>> -> memref<13824xf32, #tpu.memory_space<hbm>>
      tpu.enqueue_dma source(%arg8 : memref<13824xf32, #tpu.memory_space<vmem>>) target(%dma_start3A_127 : memref<13824xf32, #tpu.memory_space<hbm>>) target_semaphore(%arg24 : memref<!tpu.dma_semaphore, #tpu.memory_space<semaphore_mem>>)
      %add3A_128 = arith.constant 6 : i32
      %add3A_129 = arith.addi %add3A_116, %add3A_128 : i32
      %lt3A_130 = arith.constant 64 : i32
      %lt3A_131 = arith.cmpi slt, %add3A_129, %lt3A_130 : i32
      %convert_element_type3A_132 = arith.extui %lt3A_131 : i1 to i32
      %cond3A_133 = arith.constant 0 : i32
      %cond3A_134 = arith.cmpi ne, %convert_element_type3A_132, %cond3A_133 : i32
      scf.if %cond3A_134 {
        %ge3A = arith.constant 2 : i32
        %ge3A_235 = arith.cmpi sge, %add3A_116, %ge3A : i32
        %convert_element_type3A_236 = arith.extui %ge3A_235 : i1 to i32
        %cond3A_237 = arith.constant 0 : i32
        %cond3A_238 = arith.cmpi ne, %convert_element_type3A_236, %cond3A_237 : i32
        scf.if %cond3A_238 {
          %sub3A = arith.constant 2 : i32
          %sub3A_245 = arith.subi %add3A_116, %sub3A : i32
          %dma_wait3A_246 = tpu.memref_slice %arg4[%sub3A_245, %mul3A_2] : memref<64x442368xf32, #tpu.memory_space<hbm>> -> memref<1x13824xf32, #tpu.memory_space<hbm>>
          %dma_wait3A_247 = tpu.memref_squeeze %dma_wait3A_246 : memref<1x13824xf32, #tpu.memory_space<hbm>> -> memref<13824xf32, #tpu.memory_space<hbm>>
          %dma_wait3A_248 = tpu.memref_slice %arg4[%sub3A_245, %mul3A_2] : memref<64x442368xf32, #tpu.memory_space<hbm>> -> memref<1x13824xf32, #tpu.memory_space<hbm>>
          %dma_wait3A_249 = tpu.memref_squeeze %dma_wait3A_248 : memref<1x13824xf32, #tpu.memory_space<hbm>> -> memref<13824xf32, #tpu.memory_space<hbm>>
          tpu.wait_dma2 semaphore(%arg22 : memref<!tpu.dma_semaphore, #tpu.memory_space<semaphore_mem>>) src(%arg6 : memref<13824xf32, #tpu.memory_space<vmem>>) dst(%dma_wait3A_249 : memref<13824xf32, #tpu.memory_space<hbm>>)
        } else {
        }
        %add3A_239 = arith.constant 6 : i32
        %add3A_240 = arith.addi %add3A_116, %add3A_239 : i32
        %dma_start3A_241 = tpu.memref_slice %arg2[%add3A_240, %mul3A_2] : memref<64x442368xf32, #tpu.memory_space<hbm>> -> memref<1x13824xf32, #tpu.memory_space<hbm>>
        %dma_start3A_242 = tpu.memref_squeeze %dma_start3A_241 : memref<1x13824xf32, #tpu.memory_space<hbm>> -> memref<13824xf32, #tpu.memory_space<hbm>>
        %dma_start3A_243 = tpu.memref_slice %arg2[%add3A_240, %mul3A_2] : memref<64x442368xf32, #tpu.memory_space<hbm>> -> memref<1x13824xf32, #tpu.memory_space<hbm>>
        %dma_start3A_244 = tpu.memref_squeeze %dma_start3A_243 : memref<1x13824xf32, #tpu.memory_space<hbm>> -> memref<13824xf32, #tpu.memory_space<hbm>>
        tpu.enqueue_dma source(%dma_start3A_244 : memref<13824xf32, #tpu.memory_space<hbm>>) target(%arg6 : memref<13824xf32, #tpu.memory_space<vmem>>) target_semaphore(%arg14 : memref<!tpu.dma_semaphore, #tpu.memory_space<semaphore_mem>>)
      } else {
      }
      %add3A_135 = arith.constant 3 : i32
      %add3A_136 = arith.addi %mul3A_78, %add3A_135 : i32
      %dma_wait3A_137 = tpu.memref_slice %arg2[%add3A_136, %mul3A_2] : memref<64x442368xf32, #tpu.memory_space<hbm>> -> memref<1x13824xf32, #tpu.memory_space<hbm>>
      %dma_wait3A_138 = tpu.memref_squeeze %dma_wait3A_137 : memref<1x13824xf32, #tpu.memory_space<hbm>> -> memref<13824xf32, #tpu.memory_space<hbm>>
      %dma_wait3A_139 = tpu.memref_slice %arg2[%add3A_136, %mul3A_2] : memref<64x442368xf32, #tpu.memory_space<hbm>> -> memref<1x13824xf32, #tpu.memory_space<hbm>>
      %dma_wait3A_140 = tpu.memref_squeeze %dma_wait3A_139 : memref<1x13824xf32, #tpu.memory_space<hbm>> -> memref<13824xf32, #tpu.memory_space<hbm>>
      tpu.wait_dma2 semaphore(%arg17 : memref<!tpu.dma_semaphore, #tpu.memory_space<semaphore_mem>>) src(%dma_wait3A_140 : memref<13824xf32, #tpu.memory_space<hbm>>) dst(%arg9 : memref<13824xf32, #tpu.memory_space<vmem>>)
      %parallel_loop3A_141 = arith.constant 0 : i32
      %parallel_loop3A_142 = arith.constant 864 : i32
      %parallel_loop3A_143 = arith.constant 1 : i32
      scf.for %parallel_loop3A_235 = %parallel_loop3A_141 to %parallel_loop3A_142 step %parallel_loop3A_143  : i32 {
        %parallel_loop3A_236 = arith.constant 16 : i32
        %parallel_loop3A_237 = arith.muli %parallel_loop3A_235, %parallel_loop3A_236 : i32
        %parallel_loop3A_238 = arith.index_cast %parallel_loop3A_237 : i32 to index
        %parallel_loop3A_239 = tpu.vector_load %arg9[%parallel_loop3A_238] {strides = array<i32>} : memref<13824xf32, #tpu.memory_space<vmem>>, vector<16xf32>,
        %parallel_loop3A_240 = vector.shape_cast %parallel_loop3A_239 : vector<16xf32> to vector<16xf32>
        %parallel_loop3A_241 = arith.index_cast %parallel_loop3A_237 : i32 to index
        %parallel_loop3A_242 = tpu.vector_load %arg5[%parallel_loop3A_241] {strides = array<i32>} : memref<13824xf32, #tpu.memory_space<vmem>>, vector<16xf32>,
        %parallel_loop3A_243 = vector.shape_cast %parallel_loop3A_242 : vector<16xf32> to vector<16xf32>
        %parallel_loop3A_244 = arith.addf %parallel_loop3A_240, %parallel_loop3A_243 : vector<16xf32>
        %parallel_loop3A_245 = arith.index_cast %parallel_loop3A_237 : i32 to index
        %parallel_loop3A_246 = tpu.vector_load %arg9[%parallel_loop3A_245] {strides = array<i32>} : memref<13824xf32, #tpu.memory_space<vmem>>, vector<16xf32>,
        %parallel_loop3A_247 = vector.shape_cast %parallel_loop3A_246 : vector<16xf32> to vector<16xf32>
        %parallel_loop3A_248 = vector.shape_cast %parallel_loop3A_244 : vector<16xf32> to vector<16xf32>
        tpu.vector_store %arg9[%parallel_loop3A_245], %parallel_loop3A_248 {strides = array<i32>} : memref<13824xf32, #tpu.memory_space<vmem>>, vector<16xf32>,
      } {sc.loop_unroll_factor = 8 : i64, sc.parallel_access}
      %dma_start3A_144 = tpu.memref_slice %arg4[%add3A_136, %mul3A_2] : memref<64x442368xf32, #tpu.memory_space<hbm>> -> memref<1x13824xf32, #tpu.memory_space<hbm>>
      %dma_start3A_145 = tpu.memref_squeeze %dma_start3A_144 : memref<1x13824xf32, #tpu.memory_space<hbm>> -> memref<13824xf32, #tpu.memory_space<hbm>>
      %dma_start3A_146 = tpu.memref_slice %arg4[%add3A_136, %mul3A_2] : memref<64x442368xf32, #tpu.memory_space<hbm>> -> memref<1x13824xf32, #tpu.memory_space<hbm>>
      %dma_start3A_147 = tpu.memref_squeeze %dma_start3A_146 : memref<1x13824xf32, #tpu.memory_space<hbm>> -> memref<13824xf32, #tpu.memory_space<hbm>>
      tpu.enqueue_dma source(%arg9 : memref<13824xf32, #tpu.memory_space<vmem>>) target(%dma_start3A_147 : memref<13824xf32, #tpu.memory_space<hbm>>) target_semaphore(%arg25 : memref<!tpu.dma_semaphore, #tpu.memory_space<semaphore_mem>>)
      %add3A_148 = arith.constant 6 : i32
      %add3A_149 = arith.addi %add3A_136, %add3A_148 : i32
      %lt3A_150 = arith.constant 64 : i32
      %lt3A_151 = arith.cmpi slt, %add3A_149, %lt3A_150 : i32
      %convert_element_type3A_152 = arith.extui %lt3A_151 : i1 to i32
      %cond3A_153 = arith.constant 0 : i32
      %cond3A_154 = arith.cmpi ne, %convert_element_type3A_152, %cond3A_153 : i32
      scf.if %cond3A_154 {
        %ge3A = arith.constant 2 : i32
        %ge3A_235 = arith.cmpi sge, %add3A_136, %ge3A : i32
        %convert_element_type3A_236 = arith.extui %ge3A_235 : i1 to i32
        %cond3A_237 = arith.constant 0 : i32
        %cond3A_238 = arith.cmpi ne, %convert_element_type3A_236, %cond3A_237 : i32
        scf.if %cond3A_238 {
          %sub3A = arith.constant 2 : i32
          %sub3A_245 = arith.subi %add3A_136, %sub3A : i32
          %dma_wait3A_246 = tpu.memref_slice %arg4[%sub3A_245, %mul3A_2] : memref<64x442368xf32, #tpu.memory_space<hbm>> -> memref<1x13824xf32, #tpu.memory_space<hbm>>
          %dma_wait3A_247 = tpu.memref_squeeze %dma_wait3A_246 : memref<1x13824xf32, #tpu.memory_space<hbm>> -> memref<13824xf32, #tpu.memory_space<hbm>>
          %dma_wait3A_248 = tpu.memref_slice %arg4[%sub3A_245, %mul3A_2] : memref<64x442368xf32, #tpu.memory_space<hbm>> -> memref<1x13824xf32, #tpu.memory_space<hbm>>
          %dma_wait3A_249 = tpu.memref_squeeze %dma_wait3A_248 : memref<1x13824xf32, #tpu.memory_space<hbm>> -> memref<13824xf32, #tpu.memory_space<hbm>>
          tpu.wait_dma2 semaphore(%arg23 : memref<!tpu.dma_semaphore, #tpu.memory_space<semaphore_mem>>) src(%arg7 : memref<13824xf32, #tpu.memory_space<vmem>>) dst(%dma_wait3A_249 : memref<13824xf32, #tpu.memory_space<hbm>>)
        } else {
        }
        %add3A_239 = arith.constant 6 : i32
        %add3A_240 = arith.addi %add3A_136, %add3A_239 : i32
        %dma_start3A_241 = tpu.memref_slice %arg2[%add3A_240, %mul3A_2] : memref<64x442368xf32, #tpu.memory_space<hbm>> -> memref<1x13824xf32, #tpu.memory_space<hbm>>
        %dma_start3A_242 = tpu.memref_squeeze %dma_start3A_241 : memref<1x13824xf32, #tpu.memory_space<hbm>> -> memref<13824xf32, #tpu.memory_space<hbm>>
        %dma_start3A_243 = tpu.memref_slice %arg2[%add3A_240, %mul3A_2] : memref<64x442368xf32, #tpu.memory_space<hbm>> -> memref<1x13824xf32, #tpu.memory_space<hbm>>
        %dma_start3A_244 = tpu.memref_squeeze %dma_start3A_243 : memref<1x13824xf32, #tpu.memory_space<hbm>> -> memref<13824xf32, #tpu.memory_space<hbm>>
        tpu.enqueue_dma source(%dma_start3A_244 : memref<13824xf32, #tpu.memory_space<hbm>>) target(%arg7 : memref<13824xf32, #tpu.memory_space<vmem>>) target_semaphore(%arg15 : memref<!tpu.dma_semaphore, #tpu.memory_space<semaphore_mem>>)
      } else {
      }
      %add3A_155 = arith.constant 4 : i32
      %add3A_156 = arith.addi %mul3A_78, %add3A_155 : i32
      %dma_wait3A_157 = tpu.memref_slice %arg2[%add3A_156, %mul3A_2] : memref<64x442368xf32, #tpu.memory_space<hbm>> -> memref<1x13824xf32, #tpu.memory_space<hbm>>
      %dma_wait3A_158 = tpu.memref_squeeze %dma_wait3A_157 : memref<1x13824xf32, #tpu.memory_space<hbm>> -> memref<13824xf32, #tpu.memory_space<hbm>>
      %dma_wait3A_159 = tpu.memref_slice %arg2[%add3A_156, %mul3A_2] : memref<64x442368xf32, #tpu.memory_space<hbm>> -> memref<1x13824xf32, #tpu.memory_space<hbm>>
      %dma_wait3A_160 = tpu.memref_squeeze %dma_wait3A_159 : memref<1x13824xf32, #tpu.memory_space<hbm>> -> memref<13824xf32, #tpu.memory_space<hbm>>
      tpu.wait_dma2 semaphore(%arg18 : memref<!tpu.dma_semaphore, #tpu.memory_space<semaphore_mem>>) src(%dma_wait3A_160 : memref<13824xf32, #tpu.memory_space<hbm>>) dst(%arg10 : memref<13824xf32, #tpu.memory_space<vmem>>)
      %parallel_loop3A_161 = arith.constant 0 : i32
      %parallel_loop3A_162 = arith.constant 864 : i32
      %parallel_loop3A_163 = arith.constant 1 : i32
      scf.for %parallel_loop3A_235 = %parallel_loop3A_161 to %parallel_loop3A_162 step %parallel_loop3A_163  : i32 {
        %parallel_loop3A_236 = arith.constant 16 : i32
        %parallel_loop3A_237 = arith.muli %parallel_loop3A_235, %parallel_loop3A_236 : i32
        %parallel_loop3A_238 = arith.index_cast %parallel_loop3A_237 : i32 to index
        %parallel_loop3A_239 = tpu.vector_load %arg10[%parallel_loop3A_238] {strides = array<i32>} : memref<13824xf32, #tpu.memory_space<vmem>>, vector<16xf32>,
        %parallel_loop3A_240 = vector.shape_cast %parallel_loop3A_239 : vector<16xf32> to vector<16xf32>
        %parallel_loop3A_241 = arith.index_cast %parallel_loop3A_237 : i32 to index
        %parallel_loop3A_242 = tpu.vector_load %arg5[%parallel_loop3A_241] {strides = array<i32>} : memref<13824xf32, #tpu.memory_space<vmem>>, vector<16xf32>,
        %parallel_loop3A_243 = vector.shape_cast %parallel_loop3A_242 : vector<16xf32> to vector<16xf32>
        %parallel_loop3A_244 = arith.addf %parallel_loop3A_240, %parallel_loop3A_243 : vector<16xf32>
        %parallel_loop3A_245 = arith.index_cast %parallel_loop3A_237 : i32 to index
        %parallel_loop3A_246 = tpu.vector_load %arg10[%parallel_loop3A_245] {strides = array<i32>} : memref<13824xf32, #tpu.memory_space<vmem>>, vector<16xf32>,
        %parallel_loop3A_247 = vector.shape_cast %parallel_loop3A_246 : vector<16xf32> to vector<16xf32>
        %parallel_loop3A_248 = vector.shape_cast %parallel_loop3A_244 : vector<16xf32> to vector<16xf32>
        tpu.vector_store %arg10[%parallel_loop3A_245], %parallel_loop3A_248 {strides = array<i32>} : memref<13824xf32, #tpu.memory_space<vmem>>, vector<16xf32>,
      } {sc.loop_unroll_factor = 8 : i64, sc.parallel_access}
      %dma_start3A_164 = tpu.memref_slice %arg4[%add3A_156, %mul3A_2] : memref<64x442368xf32, #tpu.memory_space<hbm>> -> memref<1x13824xf32, #tpu.memory_space<hbm>>
      %dma_start3A_165 = tpu.memref_squeeze %dma_start3A_164 : memref<1x13824xf32, #tpu.memory_space<hbm>> -> memref<13824xf32, #tpu.memory_space<hbm>>
      %dma_start3A_166 = tpu.memref_slice %arg4[%add3A_156, %mul3A_2] : memref<64x442368xf32, #tpu.memory_space<hbm>> -> memref<1x13824xf32, #tpu.memory_space<hbm>>
      %dma_start3A_167 = tpu.memref_squeeze %dma_start3A_166 : memref<1x13824xf32, #tpu.memory_space<hbm>> -> memref<13824xf32, #tpu.memory_space<hbm>>
      tpu.enqueue_dma source(%arg10 : memref<13824xf32, #tpu.memory_space<vmem>>) target(%dma_start3A_167 : memref<13824xf32, #tpu.memory_space<hbm>>) target_semaphore(%arg26 : memref<!tpu.dma_semaphore, #tpu.memory_space<semaphore_mem>>)
      %add3A_168 = arith.constant 6 : i32
      %add3A_169 = arith.addi %add3A_156, %add3A_168 : i32
      %lt3A_170 = arith.constant 64 : i32
      %lt3A_171 = arith.cmpi slt, %add3A_169, %lt3A_170 : i32
      %convert_element_type3A_172 = arith.extui %lt3A_171 : i1 to i32
      %cond3A_173 = arith.constant 0 : i32
      %cond3A_174 = arith.cmpi ne, %convert_element_type3A_172, %cond3A_173 : i32
      scf.if %cond3A_174 {
        %ge3A = arith.constant 2 : i32
        %ge3A_235 = arith.cmpi sge, %add3A_156, %ge3A : i32
        %convert_element_type3A_236 = arith.extui %ge3A_235 : i1 to i32
        %cond3A_237 = arith.constant 0 : i32
        %cond3A_238 = arith.cmpi ne, %convert_element_type3A_236, %cond3A_237 : i32
        scf.if %cond3A_238 {
          %sub3A = arith.constant 2 : i32
          %sub3A_245 = arith.subi %add3A_156, %sub3A : i32
          %dma_wait3A_246 = tpu.memref_slice %arg4[%sub3A_245, %mul3A_2] : memref<64x442368xf32, #tpu.memory_space<hbm>> -> memref<1x13824xf32, #tpu.memory_space<hbm>>
          %dma_wait3A_247 = tpu.memref_squeeze %dma_wait3A_246 : memref<1x13824xf32, #tpu.memory_space<hbm>> -> memref<13824xf32, #tpu.memory_space<hbm>>
          %dma_wait3A_248 = tpu.memref_slice %arg4[%sub3A_245, %mul3A_2] : memref<64x442368xf32, #tpu.memory_space<hbm>> -> memref<1x13824xf32, #tpu.memory_space<hbm>>
          %dma_wait3A_249 = tpu.memref_squeeze %dma_wait3A_248 : memref<1x13824xf32, #tpu.memory_space<hbm>> -> memref<13824xf32, #tpu.memory_space<hbm>>
          tpu.wait_dma2 semaphore(%arg24 : memref<!tpu.dma_semaphore, #tpu.memory_space<semaphore_mem>>) src(%arg8 : memref<13824xf32, #tpu.memory_space<vmem>>) dst(%dma_wait3A_249 : memref<13824xf32, #tpu.memory_space<hbm>>)
        } else {
        }
        %add3A_239 = arith.constant 6 : i32
        %add3A_240 = arith.addi %add3A_156, %add3A_239 : i32
        %dma_start3A_241 = tpu.memref_slice %arg2[%add3A_240, %mul3A_2] : memref<64x442368xf32, #tpu.memory_space<hbm>> -> memref<1x13824xf32, #tpu.memory_space<hbm>>
        %dma_start3A_242 = tpu.memref_squeeze %dma_start3A_241 : memref<1x13824xf32, #tpu.memory_space<hbm>> -> memref<13824xf32, #tpu.memory_space<hbm>>
        %dma_start3A_243 = tpu.memref_slice %arg2[%add3A_240, %mul3A_2] : memref<64x442368xf32, #tpu.memory_space<hbm>> -> memref<1x13824xf32, #tpu.memory_space<hbm>>
        %dma_start3A_244 = tpu.memref_squeeze %dma_start3A_243 : memref<1x13824xf32, #tpu.memory_space<hbm>> -> memref<13824xf32, #tpu.memory_space<hbm>>
        tpu.enqueue_dma source(%dma_start3A_244 : memref<13824xf32, #tpu.memory_space<hbm>>) target(%arg8 : memref<13824xf32, #tpu.memory_space<vmem>>) target_semaphore(%arg16 : memref<!tpu.dma_semaphore, #tpu.memory_space<semaphore_mem>>)
      } else {
      }
      %add3A_175 = arith.constant 5 : i32
      %add3A_176 = arith.addi %mul3A_78, %add3A_175 : i32
      %dma_wait3A_177 = tpu.memref_slice %arg2[%add3A_176, %mul3A_2] : memref<64x442368xf32, #tpu.memory_space<hbm>> -> memref<1x13824xf32, #tpu.memory_space<hbm>>
      %dma_wait3A_178 = tpu.memref_squeeze %dma_wait3A_177 : memref<1x13824xf32, #tpu.memory_space<hbm>> -> memref<13824xf32, #tpu.memory_space<hbm>>
      %dma_wait3A_179 = tpu.memref_slice %arg2[%add3A_176, %mul3A_2] : memref<64x442368xf32, #tpu.memory_space<hbm>> -> memref<1x13824xf32, #tpu.memory_space<hbm>>
      %dma_wait3A_180 = tpu.memref_squeeze %dma_wait3A_179 : memref<1x13824xf32, #tpu.memory_space<hbm>> -> memref<13824xf32, #tpu.memory_space<hbm>>
      tpu.wait_dma2 semaphore(%arg19 : memref<!tpu.dma_semaphore, #tpu.memory_space<semaphore_mem>>) src(%dma_wait3A_180 : memref<13824xf32, #tpu.memory_space<hbm>>) dst(%arg11 : memref<13824xf32, #tpu.memory_space<vmem>>)
      %parallel_loop3A_181 = arith.constant 0 : i32
      %parallel_loop3A_182 = arith.constant 864 : i32
      %parallel_loop3A_183 = arith.constant 1 : i32
      scf.for %parallel_loop3A_235 = %parallel_loop3A_181 to %parallel_loop3A_182 step %parallel_loop3A_183  : i32 {
        %parallel_loop3A_236 = arith.constant 16 : i32
        %parallel_loop3A_237 = arith.muli %parallel_loop3A_235, %parallel_loop3A_236 : i32
        %parallel_loop3A_238 = arith.index_cast %parallel_loop3A_237 : i32 to index
        %parallel_loop3A_239 = tpu.vector_load %arg11[%parallel_loop3A_238] {strides = array<i32>} : memref<13824xf32, #tpu.memory_space<vmem>>, vector<16xf32>,
        %parallel_loop3A_240 = vector.shape_cast %parallel_loop3A_239 : vector<16xf32> to vector<16xf32>
        %parallel_loop3A_241 = arith.index_cast %parallel_loop3A_237 : i32 to index
        %parallel_loop3A_242 = tpu.vector_load %arg5[%parallel_loop3A_241] {strides = array<i32>} : memref<13824xf32, #tpu.memory_space<vmem>>, vector<16xf32>,
        %parallel_loop3A_243 = vector.shape_cast %parallel_loop3A_242 : vector<16xf32> to vector<16xf32>
        %parallel_loop3A_244 = arith.addf %parallel_loop3A_240, %parallel_loop3A_243 : vector<16xf32>
        %parallel_loop3A_245 = arith.index_cast %parallel_loop3A_237 : i32 to index
        %parallel_loop3A_246 = tpu.vector_load %arg11[%parallel_loop3A_245] {strides = array<i32>} : memref<13824xf32, #tpu.memory_space<vmem>>, vector<16xf32>,
        %parallel_loop3A_247 = vector.shape_cast %parallel_loop3A_246 : vector<16xf32> to vector<16xf32>
        %parallel_loop3A_248 = vector.shape_cast %parallel_loop3A_244 : vector<16xf32> to vector<16xf32>
        tpu.vector_store %arg11[%parallel_loop3A_245], %parallel_loop3A_248 {strides = array<i32>} : memref<13824xf32, #tpu.memory_space<vmem>>, vector<16xf32>,
      } {sc.loop_unroll_factor = 8 : i64, sc.parallel_access}
      %dma_start3A_184 = tpu.memref_slice %arg4[%add3A_176, %mul3A_2] : memref<64x442368xf32, #tpu.memory_space<hbm>> -> memref<1x13824xf32, #tpu.memory_space<hbm>>
      %dma_start3A_185 = tpu.memref_squeeze %dma_start3A_184 : memref<1x13824xf32, #tpu.memory_space<hbm>> -> memref<13824xf32, #tpu.memory_space<hbm>>
      %dma_start3A_186 = tpu.memref_slice %arg4[%add3A_176, %mul3A_2] : memref<64x442368xf32, #tpu.memory_space<hbm>> -> memref<1x13824xf32, #tpu.memory_space<hbm>>
      %dma_start3A_187 = tpu.memref_squeeze %dma_start3A_186 : memref<1x13824xf32, #tpu.memory_space<hbm>> -> memref<13824xf32, #tpu.memory_space<hbm>>
      tpu.enqueue_dma source(%arg11 : memref<13824xf32, #tpu.memory_space<vmem>>) target(%dma_start3A_187 : memref<13824xf32, #tpu.memory_space<hbm>>) target_semaphore(%arg27 : memref<!tpu.dma_semaphore, #tpu.memory_space<semaphore_mem>>)
      %add3A_188 = arith.constant 6 : i32
      %add3A_189 = arith.addi %add3A_176, %add3A_188 : i32
      %lt3A_190 = arith.constant 64 : i32
      %lt3A_191 = arith.cmpi slt, %add3A_189, %lt3A_190 : i32
      %convert_element_type3A_192 = arith.extui %lt3A_191 : i1 to i32
      %cond3A_193 = arith.constant 0 : i32
      %cond3A_194 = arith.cmpi ne, %convert_element_type3A_192, %cond3A_193 : i32
      scf.if %cond3A_194 {
        %ge3A = arith.constant 2 : i32
        %ge3A_235 = arith.cmpi sge, %add3A_176, %ge3A : i32
        %convert_element_type3A_236 = arith.extui %ge3A_235 : i1 to i32
        %cond3A_237 = arith.constant 0 : i32
        %cond3A_238 = arith.cmpi ne, %convert_element_type3A_236, %cond3A_237 : i32
        scf.if %cond3A_238 {
          %sub3A = arith.constant 2 : i32
          %sub3A_245 = arith.subi %add3A_176, %sub3A : i32
          %dma_wait3A_246 = tpu.memref_slice %arg4[%sub3A_245, %mul3A_2] : memref<64x442368xf32, #tpu.memory_space<hbm>> -> memref<1x13824xf32, #tpu.memory_space<hbm>>
          %dma_wait3A_247 = tpu.memref_squeeze %dma_wait3A_246 : memref<1x13824xf32, #tpu.memory_space<hbm>> -> memref<13824xf32, #tpu.memory_space<hbm>>
          %dma_wait3A_248 = tpu.memref_slice %arg4[%sub3A_245, %mul3A_2] : memref<64x442368xf32, #tpu.memory_space<hbm>> -> memref<1x13824xf32, #tpu.memory_space<hbm>>
          %dma_wait3A_249 = tpu.memref_squeeze %dma_wait3A_248 : memref<1x13824xf32, #tpu.memory_space<hbm>> -> memref<13824xf32, #tpu.memory_space<hbm>>
          tpu.wait_dma2 semaphore(%arg25 : memref<!tpu.dma_semaphore, #tpu.memory_space<semaphore_mem>>) src(%arg9 : memref<13824xf32, #tpu.memory_space<vmem>>) dst(%dma_wait3A_249 : memref<13824xf32, #tpu.memory_space<hbm>>)
        } else {
        }
        %add3A_239 = arith.constant 6 : i32
        %add3A_240 = arith.addi %add3A_176, %add3A_239 : i32
        %dma_start3A_241 = tpu.memref_slice %arg2[%add3A_240, %mul3A_2] : memref<64x442368xf32, #tpu.memory_space<hbm>> -> memref<1x13824xf32, #tpu.memory_space<hbm>>
        %dma_start3A_242 = tpu.memref_squeeze %dma_start3A_241 : memref<1x13824xf32, #tpu.memory_space<hbm>> -> memref<13824xf32, #tpu.memory_space<hbm>>
        %dma_start3A_243 = tpu.memref_slice %arg2[%add3A_240, %mul3A_2] : memref<64x442368xf32, #tpu.memory_space<hbm>> -> memref<1x13824xf32, #tpu.memory_space<hbm>>
        %dma_start3A_244 = tpu.memref_squeeze %dma_start3A_243 : memref<1x13824xf32, #tpu.memory_space<hbm>> -> memref<13824xf32, #tpu.memory_space<hbm>>
        tpu.enqueue_dma source(%dma_start3A_244 : memref<13824xf32, #tpu.memory_space<hbm>>) target(%arg9 : memref<13824xf32, #tpu.memory_space<vmem>>) target_semaphore(%arg17 : memref<!tpu.dma_semaphore, #tpu.memory_space<semaphore_mem>>)
      } else {
      }
      %add3A_195 = arith.constant 6 : i32
      %add3A_196 = arith.addi %mul3A_78, %add3A_195 : i32
      %dma_wait3A_197 = tpu.memref_slice %arg2[%add3A_196, %mul3A_2] : memref<64x442368xf32, #tpu.memory_space<hbm>> -> memref<1x13824xf32, #tpu.memory_space<hbm>>
      %dma_wait3A_198 = tpu.memref_squeeze %dma_wait3A_197 : memref<1x13824xf32, #tpu.memory_space<hbm>> -> memref<13824xf32, #tpu.memory_space<hbm>>
      %dma_wait3A_199 = tpu.memref_slice %arg2[%add3A_196, %mul3A_2] : memref<64x442368xf32, #tpu.memory_space<hbm>> -> memref<1x13824xf32, #tpu.memory_space<hbm>>
      %dma_wait3A_200 = tpu.memref_squeeze %dma_wait3A_199 : memref<1x13824xf32, #tpu.memory_space<hbm>> -> memref<13824xf32, #tpu.memory_space<hbm>>
      tpu.wait_dma2 semaphore(%arg20 : memref<!tpu.dma_semaphore, #tpu.memory_space<semaphore_mem>>) src(%dma_wait3A_200 : memref<13824xf32, #tpu.memory_space<hbm>>) dst(%arg12 : memref<13824xf32, #tpu.memory_space<vmem>>)
      %parallel_loop3A_201 = arith.constant 0 : i32
      %parallel_loop3A_202 = arith.constant 864 : i32
      %parallel_loop3A_203 = arith.constant 1 : i32
      scf.for %parallel_loop3A_235 = %parallel_loop3A_201 to %parallel_loop3A_202 step %parallel_loop3A_203  : i32 {
        %parallel_loop3A_236 = arith.constant 16 : i32
        %parallel_loop3A_237 = arith.muli %parallel_loop3A_235, %parallel_loop3A_236 : i32
        %parallel_loop3A_238 = arith.index_cast %parallel_loop3A_237 : i32 to index
        %parallel_loop3A_239 = tpu.vector_load %arg12[%parallel_loop3A_238] {strides = array<i32>} : memref<13824xf32, #tpu.memory_space<vmem>>, vector<16xf32>,
        %parallel_loop3A_240 = vector.shape_cast %parallel_loop3A_239 : vector<16xf32> to vector<16xf32>
        %parallel_loop3A_241 = arith.index_cast %parallel_loop3A_237 : i32 to index
        %parallel_loop3A_242 = tpu.vector_load %arg5[%parallel_loop3A_241] {strides = array<i32>} : memref<13824xf32, #tpu.memory_space<vmem>>, vector<16xf32>,
        %parallel_loop3A_243 = vector.shape_cast %parallel_loop3A_242 : vector<16xf32> to vector<16xf32>
        %parallel_loop3A_244 = arith.addf %parallel_loop3A_240, %parallel_loop3A_243 : vector<16xf32>
        %parallel_loop3A_245 = arith.index_cast %parallel_loop3A_237 : i32 to index
        %parallel_loop3A_246 = tpu.vector_load %arg12[%parallel_loop3A_245] {strides = array<i32>} : memref<13824xf32, #tpu.memory_space<vmem>>, vector<16xf32>,
        %parallel_loop3A_247 = vector.shape_cast %parallel_loop3A_246 : vector<16xf32> to vector<16xf32>
        %parallel_loop3A_248 = vector.shape_cast %parallel_loop3A_244 : vector<16xf32> to vector<16xf32>
        tpu.vector_store %arg12[%parallel_loop3A_245], %parallel_loop3A_248 {strides = array<i32>} : memref<13824xf32, #tpu.memory_space<vmem>>, vector<16xf32>,
      } {sc.loop_unroll_factor = 8 : i64, sc.parallel_access}
      %dma_start3A_204 = tpu.memref_slice %arg4[%add3A_196, %mul3A_2] : memref<64x442368xf32, #tpu.memory_space<hbm>> -> memref<1x13824xf32, #tpu.memory_space<hbm>>
      %dma_start3A_205 = tpu.memref_squeeze %dma_start3A_204 : memref<1x13824xf32, #tpu.memory_space<hbm>> -> memref<13824xf32, #tpu.memory_space<hbm>>
      %dma_start3A_206 = tpu.memref_slice %arg4[%add3A_196, %mul3A_2] : memref<64x442368xf32, #tpu.memory_space<hbm>> -> memref<1x13824xf32, #tpu.memory_space<hbm>>
      %dma_start3A_207 = tpu.memref_squeeze %dma_start3A_206 : memref<1x13824xf32, #tpu.memory_space<hbm>> -> memref<13824xf32, #tpu.memory_space<hbm>>
      tpu.enqueue_dma source(%arg12 : memref<13824xf32, #tpu.memory_space<vmem>>) target(%dma_start3A_207 : memref<13824xf32, #tpu.memory_space<hbm>>) target_semaphore(%arg28 : memref<!tpu.dma_semaphore, #tpu.memory_space<semaphore_mem>>)
      %add3A_208 = arith.constant 6 : i32
      %add3A_209 = arith.addi %add3A_196, %add3A_208 : i32
      %lt3A_210 = arith.constant 64 : i32
      %lt3A_211 = arith.cmpi slt, %add3A_209, %lt3A_210 : i32
      %convert_element_type3A_212 = arith.extui %lt3A_211 : i1 to i32
      %cond3A_213 = arith.constant 0 : i32
      %cond3A_214 = arith.cmpi ne, %convert_element_type3A_212, %cond3A_213 : i32
      scf.if %cond3A_214 {
        %ge3A = arith.constant 2 : i32
        %ge3A_235 = arith.cmpi sge, %add3A_196, %ge3A : i32
        %convert_element_type3A_236 = arith.extui %ge3A_235 : i1 to i32
        %cond3A_237 = arith.constant 0 : i32
        %cond3A_238 = arith.cmpi ne, %convert_element_type3A_236, %cond3A_237 : i32
        scf.if %cond3A_238 {
          %sub3A = arith.constant 2 : i32
          %sub3A_245 = arith.subi %add3A_196, %sub3A : i32
          %dma_wait3A_246 = tpu.memref_slice %arg4[%sub3A_245, %mul3A_2] : memref<64x442368xf32, #tpu.memory_space<hbm>> -> memref<1x13824xf32, #tpu.memory_space<hbm>>
          %dma_wait3A_247 = tpu.memref_squeeze %dma_wait3A_246 : memref<1x13824xf32, #tpu.memory_space<hbm>> -> memref<13824xf32, #tpu.memory_space<hbm>>
          %dma_wait3A_248 = tpu.memref_slice %arg4[%sub3A_245, %mul3A_2] : memref<64x442368xf32, #tpu.memory_space<hbm>> -> memref<1x13824xf32, #tpu.memory_space<hbm>>
          %dma_wait3A_249 = tpu.memref_squeeze %dma_wait3A_248 : memref<1x13824xf32, #tpu.memory_space<hbm>> -> memref<13824xf32, #tpu.memory_space<hbm>>
          tpu.wait_dma2 semaphore(%arg26 : memref<!tpu.dma_semaphore, #tpu.memory_space<semaphore_mem>>) src(%arg10 : memref<13824xf32, #tpu.memory_space<vmem>>) dst(%dma_wait3A_249 : memref<13824xf32, #tpu.memory_space<hbm>>)
        } else {
        }
        %add3A_239 = arith.constant 6 : i32
        %add3A_240 = arith.addi %add3A_196, %add3A_239 : i32
        %dma_start3A_241 = tpu.memref_slice %arg2[%add3A_240, %mul3A_2] : memref<64x442368xf32, #tpu.memory_space<hbm>> -> memref<1x13824xf32, #tpu.memory_space<hbm>>
        %dma_start3A_242 = tpu.memref_squeeze %dma_start3A_241 : memref<1x13824xf32, #tpu.memory_space<hbm>> -> memref<13824xf32, #tpu.memory_space<hbm>>
        %dma_start3A_243 = tpu.memref_slice %arg2[%add3A_240, %mul3A_2] : memref<64x442368xf32, #tpu.memory_space<hbm>> -> memref<1x13824xf32, #tpu.memory_space<hbm>>
        %dma_start3A_244 = tpu.memref_squeeze %dma_start3A_243 : memref<1x13824xf32, #tpu.memory_space<hbm>> -> memref<13824xf32, #tpu.memory_space<hbm>>
        tpu.enqueue_dma source(%dma_start3A_244 : memref<13824xf32, #tpu.memory_space<hbm>>) target(%arg10 : memref<13824xf32, #tpu.memory_space<vmem>>) target_semaphore(%arg18 : memref<!tpu.dma_semaphore, #tpu.memory_space<semaphore_mem>>)
      } else {
      }
      %add3A_215 = arith.constant 7 : i32
      %add3A_216 = arith.addi %mul3A_78, %add3A_215 : i32
      %dma_wait3A_217 = tpu.memref_slice %arg2[%add3A_216, %mul3A_2] : memref<64x442368xf32, #tpu.memory_space<hbm>> -> memref<1x13824xf32, #tpu.memory_space<hbm>>
      %dma_wait3A_218 = tpu.memref_squeeze %dma_wait3A_217 : memref<1x13824xf32, #tpu.memory_space<hbm>> -> memref<13824xf32, #tpu.memory_space<hbm>>
      %dma_wait3A_219 = tpu.memref_slice %arg2[%add3A_216, %mul3A_2] : memref<64x442368xf32, #tpu.memory_space<hbm>> -> memref<1x13824xf32, #tpu.memory_space<hbm>>
      %dma_wait3A_220 = tpu.memref_squeeze %dma_wait3A_219 : memref<1x13824xf32, #tpu.memory_space<hbm>> -> memref<13824xf32, #tpu.memory_space<hbm>>
      tpu.wait_dma2 semaphore(%arg21 : memref<!tpu.dma_semaphore, #tpu.memory_space<semaphore_mem>>) src(%dma_wait3A_220 : memref<13824xf32, #tpu.memory_space<hbm>>) dst(%arg13 : memref<13824xf32, #tpu.memory_space<vmem>>)
      %parallel_loop3A_221 = arith.constant 0 : i32
      %parallel_loop3A_222 = arith.constant 864 : i32
      %parallel_loop3A_223 = arith.constant 1 : i32
      scf.for %parallel_loop3A_235 = %parallel_loop3A_221 to %parallel_loop3A_222 step %parallel_loop3A_223  : i32 {
        %parallel_loop3A_236 = arith.constant 16 : i32
        %parallel_loop3A_237 = arith.muli %parallel_loop3A_235, %parallel_loop3A_236 : i32
        %parallel_loop3A_238 = arith.index_cast %parallel_loop3A_237 : i32 to index
        %parallel_loop3A_239 = tpu.vector_load %arg13[%parallel_loop3A_238] {strides = array<i32>} : memref<13824xf32, #tpu.memory_space<vmem>>, vector<16xf32>,
        %parallel_loop3A_240 = vector.shape_cast %parallel_loop3A_239 : vector<16xf32> to vector<16xf32>
        %parallel_loop3A_241 = arith.index_cast %parallel_loop3A_237 : i32 to index
        %parallel_loop3A_242 = tpu.vector_load %arg5[%parallel_loop3A_241] {strides = array<i32>} : memref<13824xf32, #tpu.memory_space<vmem>>, vector<16xf32>,
        %parallel_loop3A_243 = vector.shape_cast %parallel_loop3A_242 : vector<16xf32> to vector<16xf32>
        %parallel_loop3A_244 = arith.addf %parallel_loop3A_240, %parallel_loop3A_243 : vector<16xf32>
        %parallel_loop3A_245 = arith.index_cast %parallel_loop3A_237 : i32 to index
        %parallel_loop3A_246 = tpu.vector_load %arg13[%parallel_loop3A_245] {strides = array<i32>} : memref<13824xf32, #tpu.memory_space<vmem>>, vector<16xf32>,
        %parallel_loop3A_247 = vector.shape_cast %parallel_loop3A_246 : vector<16xf32> to vector<16xf32>
        %parallel_loop3A_248 = vector.shape_cast %parallel_loop3A_244 : vector<16xf32> to vector<16xf32>
        tpu.vector_store %arg13[%parallel_loop3A_245], %parallel_loop3A_248 {strides = array<i32>} : memref<13824xf32, #tpu.memory_space<vmem>>, vector<16xf32>,
      } {sc.loop_unroll_factor = 8 : i64, sc.parallel_access}
      %dma_start3A_224 = tpu.memref_slice %arg4[%add3A_216, %mul3A_2] : memref<64x442368xf32, #tpu.memory_space<hbm>> -> memref<1x13824xf32, #tpu.memory_space<hbm>>
      %dma_start3A_225 = tpu.memref_squeeze %dma_start3A_224 : memref<1x13824xf32, #tpu.memory_space<hbm>> -> memref<13824xf32, #tpu.memory_space<hbm>>
      %dma_start3A_226 = tpu.memref_slice %arg4[%add3A_216, %mul3A_2] : memref<64x442368xf32, #tpu.memory_space<hbm>> -> memref<1x13824xf32, #tpu.memory_space<hbm>>
      %dma_start3A_227 = tpu.memref_squeeze %dma_start3A_226 : memref<1x13824xf32, #tpu.memory_space<hbm>> -> memref<13824xf32, #tpu.memory_space<hbm>>
      tpu.enqueue_dma source(%arg13 : memref<13824xf32, #tpu.memory_space<vmem>>) target(%dma_start3A_227 : memref<13824xf32, #tpu.memory_space<hbm>>) target_semaphore(%arg29 : memref<!tpu.dma_semaphore, #tpu.memory_space<semaphore_mem>>)
      %add3A_228 = arith.constant 6 : i32
      %add3A_229 = arith.addi %add3A_216, %add3A_228 : i32
      %lt3A_230 = arith.constant 64 : i32
      %lt3A_231 = arith.cmpi slt, %add3A_229, %lt3A_230 : i32
      %convert_element_type3A_232 = arith.extui %lt3A_231 : i1 to i32
      %cond3A_233 = arith.constant 0 : i32
      %cond3A_234 = arith.cmpi ne, %convert_element_type3A_232, %cond3A_233 : i32
      scf.if %cond3A_234 {
        %ge3A = arith.constant 2 : i32
        %ge3A_235 = arith.cmpi sge, %add3A_216, %ge3A : i32
        %convert_element_type3A_236 = arith.extui %ge3A_235 : i1 to i32
        %cond3A_237 = arith.constant 0 : i32
        %cond3A_238 = arith.cmpi ne, %convert_element_type3A_236, %cond3A_237 : i32
        scf.if %cond3A_238 {
          %sub3A = arith.constant 2 : i32
          %sub3A_245 = arith.subi %add3A_216, %sub3A : i32
          %dma_wait3A_246 = tpu.memref_slice %arg4[%sub3A_245, %mul3A_2] : memref<64x442368xf32, #tpu.memory_space<hbm>> -> memref<1x13824xf32, #tpu.memory_space<hbm>>
          %dma_wait3A_247 = tpu.memref_squeeze %dma_wait3A_246 : memref<1x13824xf32, #tpu.memory_space<hbm>> -> memref<13824xf32, #tpu.memory_space<hbm>>
          %dma_wait3A_248 = tpu.memref_slice %arg4[%sub3A_245, %mul3A_2] : memref<64x442368xf32, #tpu.memory_space<hbm>> -> memref<1x13824xf32, #tpu.memory_space<hbm>>
          %dma_wait3A_249 = tpu.memref_squeeze %dma_wait3A_248 : memref<1x13824xf32, #tpu.memory_space<hbm>> -> memref<13824xf32, #tpu.memory_space<hbm>>
          tpu.wait_dma2 semaphore(%arg27 : memref<!tpu.dma_semaphore, #tpu.memory_space<semaphore_mem>>) src(%arg11 : memref<13824xf32, #tpu.memory_space<vmem>>) dst(%dma_wait3A_249 : memref<13824xf32, #tpu.memory_space<hbm>>)
        } else {
        }
        %add3A_239 = arith.constant 6 : i32
        %add3A_240 = arith.addi %add3A_216, %add3A_239 : i32
        %dma_start3A_241 = tpu.memref_slice %arg2[%add3A_240, %mul3A_2] : memref<64x442368xf32, #tpu.memory_space<hbm>> -> memref<1x13824xf32, #tpu.memory_space<hbm>>
        %dma_start3A_242 = tpu.memref_squeeze %dma_start3A_241 : memref<1x13824xf32, #tpu.memory_space<hbm>> -> memref<13824xf32, #tpu.memory_space<hbm>>
        %dma_start3A_243 = tpu.memref_slice %arg2[%add3A_240, %mul3A_2] : memref<64x442368xf32, #tpu.memory_space<hbm>> -> memref<1x13824xf32, #tpu.memory_space<hbm>>
        %dma_start3A_244 = tpu.memref_squeeze %dma_start3A_243 : memref<1x13824xf32, #tpu.memory_space<hbm>> -> memref<13824xf32, #tpu.memory_space<hbm>>
        tpu.enqueue_dma source(%dma_start3A_244 : memref<13824xf32, #tpu.memory_space<hbm>>) target(%arg11 : memref<13824xf32, #tpu.memory_space<vmem>>) target_semaphore(%arg19 : memref<!tpu.dma_semaphore, #tpu.memory_space<semaphore_mem>>)
      } else {
      }
    }
    %scan3A_36 = arith.constant 8 : i32
    %dma_wait3A = arith.constant 56 : i32
    %dma_wait3A_37 = tpu.memref_slice %arg4[%dma_wait3A, %mul3A_2] : memref<64x442368xf32, #tpu.memory_space<hbm>> -> memref<1x13824xf32, #tpu.memory_space<hbm>>
    %dma_wait3A_38 = tpu.memref_squeeze %dma_wait3A_37 : memref<1x13824xf32, #tpu.memory_space<hbm>> -> memref<13824xf32, #tpu.memory_space<hbm>>
    %dma_wait3A_39 = tpu.memref_slice %arg4[%dma_wait3A, %mul3A_2] : memref<64x442368xf32, #tpu.memory_space<hbm>> -> memref<1x13824xf32, #tpu.memory_space<hbm>>
    %dma_wait3A_40 = tpu.memref_squeeze %dma_wait3A_39 : memref<1x13824xf32, #tpu.memory_space<hbm>> -> memref<13824xf32, #tpu.memory_space<hbm>>
    tpu.wait_dma2 semaphore(%arg22 : memref<!tpu.dma_semaphore, #tpu.memory_space<semaphore_mem>>) src(%arg6 : memref<13824xf32, #tpu.memory_space<vmem>>) dst(%dma_wait3A_40 : memref<13824xf32, #tpu.memory_space<hbm>>)
    %dma_wait3A_41 = arith.constant 57 : i32
    %dma_wait3A_42 = tpu.memref_slice %arg4[%dma_wait3A_41, %mul3A_2] : memref<64x442368xf32, #tpu.memory_space<hbm>> -> memref<1x13824xf32, #tpu.memory_space<hbm>>
    %dma_wait3A_43 = tpu.memref_squeeze %dma_wait3A_42 : memref<1x13824xf32, #tpu.memory_space<hbm>> -> memref<13824xf32, #tpu.memory_space<hbm>>
    %dma_wait3A_44 = tpu.memref_slice %arg4[%dma_wait3A_41, %mul3A_2] : memref<64x442368xf32, #tpu.memory_space<hbm>> -> memref<1x13824xf32, #tpu.memory_space<hbm>>
    %dma_wait3A_45 = tpu.memref_squeeze %dma_wait3A_44 : memref<1x13824xf32, #tpu.memory_space<hbm>> -> memref<13824xf32, #tpu.memory_space<hbm>>
    tpu.wait_dma2 semaphore(%arg23 : memref<!tpu.dma_semaphore, #tpu.memory_space<semaphore_mem>>) src(%arg7 : memref<13824xf32, #tpu.memory_space<vmem>>) dst(%dma_wait3A_45 : memref<13824xf32, #tpu.memory_space<hbm>>)
    %dma_wait3A_46 = arith.constant 58 : i32
    %dma_wait3A_47 = tpu.memref_slice %arg4[%dma_wait3A_46, %mul3A_2] : memref<64x442368xf32, #tpu.memory_space<hbm>> -> memref<1x13824xf32, #tpu.memory_space<hbm>>
    %dma_wait3A_48 = tpu.memref_squeeze %dma_wait3A_47 : memref<1x13824xf32, #tpu.memory_space<hbm>> -> memref<13824xf32, #tpu.memory_space<hbm>>
    %dma_wait3A_49 = tpu.memref_slice %arg4[%dma_wait3A_46, %mul3A_2] : memref<64x442368xf32, #tpu.memory_space<hbm>> -> memref<1x13824xf32, #tpu.memory_space<hbm>>
    %dma_wait3A_50 = tpu.memref_squeeze %dma_wait3A_49 : memref<1x13824xf32, #tpu.memory_space<hbm>> -> memref<13824xf32, #tpu.memory_space<hbm>>
    tpu.wait_dma2 semaphore(%arg24 : memref<!tpu.dma_semaphore, #tpu.memory_space<semaphore_mem>>) src(%arg8 : memref<13824xf32, #tpu.memory_space<vmem>>) dst(%dma_wait3A_50 : memref<13824xf32, #tpu.memory_space<hbm>>)
    %dma_wait3A_51 = arith.constant 59 : i32
    %dma_wait3A_52 = tpu.memref_slice %arg4[%dma_wait3A_51, %mul3A_2] : memref<64x442368xf32, #tpu.memory_space<hbm>> -> memref<1x13824xf32, #tpu.memory_space<hbm>>
    %dma_wait3A_53 = tpu.memref_squeeze %dma_wait3A_52 : memref<1x13824xf32, #tpu.memory_space<hbm>> -> memref<13824xf32, #tpu.memory_space<hbm>>
    %dma_wait3A_54 = tpu.memref_slice %arg4[%dma_wait3A_51, %mul3A_2] : memref<64x442368xf32, #tpu.memory_space<hbm>> -> memref<1x13824xf32, #tpu.memory_space<hbm>>
    %dma_wait3A_55 = tpu.memref_squeeze %dma_wait3A_54 : memref<1x13824xf32, #tpu.memory_space<hbm>> -> memref<13824xf32, #tpu.memory_space<hbm>>
    tpu.wait_dma2 semaphore(%arg25 : memref<!tpu.dma_semaphore, #tpu.memory_space<semaphore_mem>>) src(%arg9 : memref<13824xf32, #tpu.memory_space<vmem>>) dst(%dma_wait3A_55 : memref<13824xf32, #tpu.memory_space<hbm>>)
    %dma_wait3A_56 = arith.constant 60 : i32
    %dma_wait3A_57 = tpu.memref_slice %arg4[%dma_wait3A_56, %mul3A_2] : memref<64x442368xf32, #tpu.memory_space<hbm>> -> memref<1x13824xf32, #tpu.memory_space<hbm>>
    %dma_wait3A_58 = tpu.memref_squeeze %dma_wait3A_57 : memref<1x13824xf32, #tpu.memory_space<hbm>> -> memref<13824xf32, #tpu.memory_space<hbm>>
    %dma_wait3A_59 = tpu.memref_slice %arg4[%dma_wait3A_56, %mul3A_2] : memref<64x442368xf32, #tpu.memory_space<hbm>> -> memref<1x13824xf32, #tpu.memory_space<hbm>>
    %dma_wait3A_60 = tpu.memref_squeeze %dma_wait3A_59 : memref<1x13824xf32, #tpu.memory_space<hbm>> -> memref<13824xf32, #tpu.memory_space<hbm>>
    tpu.wait_dma2 semaphore(%arg26 : memref<!tpu.dma_semaphore, #tpu.memory_space<semaphore_mem>>) src(%arg10 : memref<13824xf32, #tpu.memory_space<vmem>>) dst(%dma_wait3A_60 : memref<13824xf32, #tpu.memory_space<hbm>>)
    %dma_wait3A_61 = arith.constant 61 : i32
    %dma_wait3A_62 = tpu.memref_slice %arg4[%dma_wait3A_61, %mul3A_2] : memref<64x442368xf32, #tpu.memory_space<hbm>> -> memref<1x13824xf32, #tpu.memory_space<hbm>>
    %dma_wait3A_63 = tpu.memref_squeeze %dma_wait3A_62 : memref<1x13824xf32, #tpu.memory_space<hbm>> -> memref<13824xf32, #tpu.memory_space<hbm>>
    %dma_wait3A_64 = tpu.memref_slice %arg4[%dma_wait3A_61, %mul3A_2] : memref<64x442368xf32, #tpu.memory_space<hbm>> -> memref<1x13824xf32, #tpu.memory_space<hbm>>
    %dma_wait3A_65 = tpu.memref_squeeze %dma_wait3A_64 : memref<1x13824xf32, #tpu.memory_space<hbm>> -> memref<13824xf32, #tpu.memory_space<hbm>>
    tpu.wait_dma2 semaphore(%arg27 : memref<!tpu.dma_semaphore, #tpu.memory_space<semaphore_mem>>) src(%arg11 : memref<13824xf32, #tpu.memory_space<vmem>>) dst(%dma_wait3A_65 : memref<13824xf32, #tpu.memory_space<hbm>>)
    %dma_wait3A_66 = arith.constant 62 : i32
    %dma_wait3A_67 = tpu.memref_slice %arg4[%dma_wait3A_66, %mul3A_2] : memref<64x442368xf32, #tpu.memory_space<hbm>> -> memref<1x13824xf32, #tpu.memory_space<hbm>>
    %dma_wait3A_68 = tpu.memref_squeeze %dma_wait3A_67 : memref<1x13824xf32, #tpu.memory_space<hbm>> -> memref<13824xf32, #tpu.memory_space<hbm>>
    %dma_wait3A_69 = tpu.memref_slice %arg4[%dma_wait3A_66, %mul3A_2] : memref<64x442368xf32, #tpu.memory_space<hbm>> -> memref<1x13824xf32, #tpu.memory_space<hbm>>
    %dma_wait3A_70 = tpu.memref_squeeze %dma_wait3A_69 : memref<1x13824xf32, #tpu.memory_space<hbm>> -> memref<13824xf32, #tpu.memory_space<hbm>>
    tpu.wait_dma2 semaphore(%arg28 : memref<!tpu.dma_semaphore, #tpu.memory_space<semaphore_mem>>) src(%arg12 : memref<13824xf32, #tpu.memory_space<vmem>>) dst(%dma_wait3A_70 : memref<13824xf32, #tpu.memory_space<hbm>>)
    %dma_wait3A_71 = arith.constant 63 : i32
    %dma_wait3A_72 = tpu.memref_slice %arg4[%dma_wait3A_71, %mul3A_2] : memref<64x442368xf32, #tpu.memory_space<hbm>> -> memref<1x13824xf32, #tpu.memory_space<hbm>>
    %dma_wait3A_73 = tpu.memref_squeeze %dma_wait3A_72 : memref<1x13824xf32, #tpu.memory_space<hbm>> -> memref<13824xf32, #tpu.memory_space<hbm>>
    %dma_wait3A_74 = tpu.memref_slice %arg4[%dma_wait3A_71, %mul3A_2] : memref<64x442368xf32, #tpu.memory_space<hbm>> -> memref<1x13824xf32, #tpu.memory_space<hbm>>
    %dma_wait3A_75 = tpu.memref_squeeze %dma_wait3A_74 : memref<1x13824xf32, #tpu.memory_space<hbm>> -> memref<13824xf32, #tpu.memory_space<hbm>>
    tpu.wait_dma2 semaphore(%arg29 : memref<!tpu.dma_semaphore, #tpu.memory_space<semaphore_mem>>) src(%arg13 : memref<13824xf32, #tpu.memory_space<vmem>>) dst(%dma_wait3A_75 : memref<13824xf32, #tpu.memory_space<hbm>>)
    return
  }
}

</mosaic_0001>

<sc_bundles>
// kernel: kernel.3.cloned.1.call-start
scs
__scs_entry_jumppad:
0x0: {  	(pc) =	sbr.rel $0x88, $3  }
0x1: {  	(tag) =	ssettag $0x0;
	lr =	simm.s32 $0x1  }
0x2: {  	[smem:$0x3F9F] =	sst lr;
	_ =	strace $0xD0000000  }
0x3: {  	_ = 	snop  }
0x4: {  	_ = 	snop  }
0x5: {  	_ = 	snop  }
0x6: {  	_ = 	snop  }
0x7: {  	_ = 	snop  }
__scs_overlays_trampoline_lowered:
0x8: {  	[smem:$0x3FAE] =	sst s0  }
0x9: {  	[smem:$0x3FAF] =	sst s1  }
0xa: {  	[smem:$0x3FB0] =	sst s2  }
0xb: {  	[smem:$0x3FB1] =	sst s3  }
0xc: {  	[smem:$0x3FB2] =	sst s4  }
0xd: {  	[smem:$0x3FB3] =	sst s5  }
0xe: {  	[smem:$0x3FB4] =	sst s6  }
0xf: {  	[smem:$0x3FB5] =	sst s7  }
0x10: {  	[smem:$0x3FB6] =	sst s8  }
0x11: {  	[smem:$0x3FB7] =	sst s9;
	s0 =	simm.s32 @!p0 $0x0  }
0x12: {  	s1 =	sld [smem:$0x3F9D];
	s0 =	simm.s32 @p0 $0x1  }
0x13: {  	[smem:$0x3FB8] =	sst s0;
	s0 =	simm.s32 @!p1 $0x0  }
0x14: {  	s2 =	sld [smem:$0x3F9C];
	s0 =	simm.s32 @p1 $0x1  }
0x15: {  	[smem:$0x3FB9] =	sst s0;
	s0 =	simm.s32 @!p2 $0x0  }
0x16: {  	s3 =	sld [smem:$0x3FDB];
	s0 =	simm.s32 @p2 $0x1  }
0x17: {  	s4 =	simm.s32 $0x1BF5;
	[smem:$0x3FBB] =	sst s0  }
0x18: {  	s0 =	sld [smem:$0x3F9E];
	_ =	swait.ge [sflag:s4], $0x0  }
0x19: {  	s7 =	sld [smem:$0x3F9F]  }
0x1a: {  	s8 =	sadd.s32 $0xFFFFE003, lr  }
0x1b: {  	s9 =	sadd.s32 $0xFFFFFEF7, lr;
	s5 =	simm.s32 $0xFFFFFFFF;
	p2 =	slt.u32 s8, $0xFFFFF086  }
0x1c: {  	p1 =	slt.u32 s9, $0xF7A;
	s5 =	simm.s32 @!p2 $0x0  }
0x1d: {  	s5 =	simm.s32 @p1 $0x1;
	p0 =	seq.s32 s7, s2  }
0x1e: {  	s7 =	smul.u32 @!p0 $0xF7A, s2;
	p2 =	seq.s32 @!p0 s5, $0x0  }
0x1f: {  	s9 =	smul.u32 $0xF7A, s1;
	s8 =	simm.s32 @!p0 $0x1BF5;
	p2 =	por !p2, p0  }
0x20: {  	[sflag:s8] =	ssyncset.s32 @!p0 $0xFFFFF086;
	s6 =	sadd.s32 @!p0 s3, s7;
	s7 =	simm.s32 @!p0 $0x108  }
0x21: {  	s3 =	sadd.s32 s3, s9;
	s6 =	sadd.s32 @!p0 $0x88, s6;
	s7 =	simm.s32 @p2 $0x1082  }
0x22: {  	[simem:s7], [sflag:s8] =	dma.local @!p0 [hbm:s6], $0xF7A  }
0x23: {  	s9 =	sor.u32 $0xD0000000, s2;
	s6 =	simm.s32 $0x108;
	_ =	swait.ge @!p0 [sflag:s8], $0x0  }
0x24: {  	s3 =	sadd.s32 $0x88, s3;
	s6 =	simm.s32 @!p1 $0x1082;
	[sflag:s4] =	ssyncset.s32 $0xFFFFF086  }
0x25: {  	[simem:s6], [sflag:s4] =	dma.local [hbm:s3], $0xF7A  }
0x26: {  	[smem:$0x3F9F] =	sst s1;
	(tag) =	ssettag s2;
	_ =	strace s9  }
0x27: {  	s1 =	sld [smem:$0x3FAF]  }
0x28: {  	s2 =	sld [smem:$0x3FB0]  }
0x29: {  	s4 =	sld [smem:$0x3FB2]  }
0x2a: {  	p0 =	seq.s32 s5, $0x0;
	s5 =	sld [smem:$0x3FB3]  }
0x2b: {  	s6 =	sld [smem:$0x3FB4]  }
0x2c: {  	s7 =	sld [smem:$0x3FB5]  }
0x2d: {  	s3 =	simm.s32 $0x108;
	s8 =	sld [smem:$0x3FB6]  }
0x2e: {  	s3 =	simm.s32 @!p0 $0x1082;
	s9 =	sld [smem:$0x3FB7]  }
0x2f: {  	lr =	sadd.s32 s0, s3;
	s0 =	sld [smem:$0x3FAE]  }
0x30: {  	s3 =	sld [smem:$0x3FB1]  }
0x31: {  	[smem:$0x3FBA] =	sst s10  }
0x32: {  	s10 =	sld [smem:$0x3FB8];
	_ =	sdelay $0x3  }
0x33: {  	p0 =	seq.s32 s10, $0x1;
	s10 =	sld [smem:$0x3FBA];
	_ =	sdelay $0x3  }
0x34: {  	[smem:$0x3FBA] =	sst s10  }
0x35: {  	s10 =	sld [smem:$0x3FB9];
	_ =	sdelay $0x3  }
0x36: {  	p1 =	seq.s32 s10, $0x1;
	s10 =	sld [smem:$0x3FBA];
	_ =	sdelay $0x3  }
0x37: {  	[smem:$0x3FBA] =	sst s10  }
0x38: {  	s10 =	sld [smem:$0x3FBB]  }
0x39: {  	_ = 	snop;
	(pc) =	sbr.ind lr, $3  }
0x3a: {  	_ = 	snop  }
0x3b: {  	_ = 	snop  }
0x3c: {  	p2 =	seq.s32 s10, $0x1;
	s10 =	sld [smem:$0x3FBA]  }
0x3d: {  	_ =	shalt  }
0x3e: {  	_ =	shalt  }
0x3f: {  	_ =	shalt  }
0x40: {  	_ =	shalt  }
0x41: {  	_ =	shalt  }
0x42: {  	_ =	shalt  }
0x43: {  	_ =	shalt  }
0x44: {  	_ =	shalt  }
0x45: {  	_ =	shalt  }
0x46: {  	_ =	shalt  }
0x47: {  	_ =	shalt  }
0x48: {  	_ =	shalt  }
0x49: {  	_ =	shalt  }
0x4a: {  	_ =	shalt  }
0x4b: {  	_ =	shalt  }
0x4c: {  	_ =	shalt  }
0x4d: {  	_ =	shalt  }
0x4e: {  	_ =	shalt  }
0x4f: {  	_ =	shalt  }
0x50: {  	_ =	shalt  }
0x51: {  	_ =	shalt  }
0x52: {  	_ =	shalt  }
0x53: {  	_ =	shalt  }
0x54: {  	_ =	shalt  }
0x55: {  	_ =	shalt  }
0x56: {  	_ =	shalt  }
0x57: {  	_ =	shalt  }
0x58: {  	_ =	shalt  }
0x59: {  	_ =	shalt  }
0x5a: {  	_ =	shalt  }
0x5b: {  	_ =	shalt  }
0x5c: {  	_ =	shalt  }
0x5d: {  	_ =	shalt  }
0x5e: {  	_ =	shalt  }
0x5f: {  	_ =	shalt  }
0x60: {  	_ =	shalt  }
0x61: {  	_ =	shalt  }
0x62: {  	_ =	shalt  }
0x63: {  	_ =	shalt  }
0x64: {  	_ =	shalt  }
0x65: {  	_ =	shalt  }
0x66: {  	_ =	shalt  }
0x67: {  	_ =	shalt  }
0x68: {  	_ =	shalt  }
0x69: {  	_ =	shalt  }
0x6a: {  	_ =	shalt  }
0x6b: {  	_ =	shalt  }
0x6c: {  	_ =	shalt  }
0x6d: {  	_ =	shalt  }
0x6e: {  	_ =	shalt  }
0x6f: {  	_ =	shalt  }
0x70: {  	_ =	shalt  }
0x71: {  	_ =	shalt  }
0x72: {  	_ =	shalt  }
0x73: {  	_ =	shalt  }
0x74: {  	_ =	shalt  }
0x75: {  	_ =	shalt  }
0x76: {  	_ =	shalt  }
0x77: {  	_ =	shalt  }
0x78: {  	_ =	shalt  }
0x79: {  	_ =	shalt  }
0x7a: {  	_ =	shalt  }
0x7b: {  	_ =	shalt  }
0x7c: {  	_ =	shalt  }
0x7d: {  	_ =	shalt  }
0x7e: {  	_ =	shalt  }
0x7f: {  	_ =	shalt  }
0x80: {  	_ =	shalt  }
0x81: {  	_ =	shalt  }
0x82: {  	_ =	shalt  }
0x83: {  	_ =	shalt  }
0x84: {  	_ =	shalt  }
0x85: {  	_ =	shalt  }
0x86: {  	_ =	shalt  }
0x87: {  	_ =	shalt  }
.Lfunc_end0:
.L_simem_size_0:
called_computation.2_lowered:
.L_overlay_start_0:
0x88: {  	s2 =	sld [smem:$0x3FD9]  }
0x89: {  	s3 =	sld [smem:$0x3FFE];
	_ =	sdelay $0x1  }
0x8a: {  	s1 =	srdreg.scid  }
0x8b: {  	s0 =	sand.u32 $0x1, s1  }
0x8c: {  	s17 =	sshll.u32 s0, $0xA;
	s2 =	sadd.s32 s3, s2  }
0x8d: {  	s2 =	sadd.s32 s2, s17  }
0x8e: {  	[smem:$0x3FC6] =	sst s2  }
0x8f: {  	_ = 	snop  }
0x90: {  	s2 =	sld [smem:$0x3FD0];
	(tm) =	ssettm $0x1  }
0x91: {  	s18 =	sld [smem:$0x3FFB];
	_ =	sdelay $0x3  }
0x92: {  	_ =	strace s18  }
0x93: {  	s3 =	sld [smem:$0x3FFC];
	_ =	sdelay $0x3  }
0x94: {  	_ =	strace s3  }
0x95: {  	s3 =	sld [smem:$0x3FFD];
	_ =	sdelay $0x3  }
0x96: {  	_ =	strace s3  }
0x97: {  	_ =	strace $0x8FFFFFFF  }
0x98: {  	s19 =	sld [smem:$0x3FDB];
	_ =	sdelay $0x1  }
0x99: {  	s4 =	simm.s32 $_scs_section_size  }
0x9a: {  	s5 =	simm.s32 $_size__tile_overlayer_lowered;
	s6 =	simm.s32 $_tile_overlayer_lowered  }
0x9b: {  	s22 =	simm.s32 $0x1BFF;
	s21 =	sshll.u32 s6, $0x1;
	s3 =	sadd.s32 s4, s19  }
0x9c: {  	s7 =	simm.s32 $0x0;
	s20 =	sshll.u32 s5, $0x1;
	s5 =	sadd.s32 s21, s3  }
0x9d: {  	[timem:s7], [sflag:s22] =	dma.local [hbm:s5], s20  }
0x9e: {  	_ =	swait.ge [sflag:s22], s20  }
0x9f: {  	s4 =	ssub.s32 $0x0, s20;
	[sflag:s22] =	ssyncset.done $0x0  }
0xa0: {  	[sflag:s22] =	ssyncadd.s32 s4;
	_ =	sdelay $0x1  }
0xa1: {  	s23 =	simm.s32 $0x1B8B  }
0xa2: {  	_ =	swait.ge [sflag:s23], $0x1  }
0xa3: {  	[sflag:s23] =	ssyncset.done $0x0  }
0xa4: {  	s25 =	simm.s32 $0x1B8E;
	s24 =	sld [smem:$0x3FFE];
	[sflag:s23] =	ssyncadd.s32 $0xFFFFFFFF  }
0xa5: {  	s26 =	simm.s32 $execute0_lowered;
	[smem:$0x3FD2] =	sst s25  }
0xa6: {  	s5 =	sshll.u32 s26, $0x1;
	_ =	strace $0x80000049;
	[dreg:$0x1] =	wrdreg $0xFFFFFFFF  }
0xa7: {  	s28 =	simm.s32 $_size_execute0_lowered;
	s3 =	sadd.s32 s3, s5;
	[dreg:$0x0] =	wrdreg $0x0  }
0xa8: {  	s5 =	sshll.u32 s28, $0x1;
	[dreg:$0x2] =	wrdreg s3  }
0xa9: {  	[dreg:$0x3] =	wrdreg s5  }
0xaa: {  	[dreg:$0x4] =	wrdreg $0xC0  }
0xab: {  	_ =	task [dreg:s7], $0x5FFFF  }
0xac: {  	[dreg:$0x1] =	wrdreg $0xFFFFFFFF  }
0xad: {  	[dreg:$0x0] =	wrdreg $0x60  }
0xae: {  	[dreg:$0x2] =	wrdreg s2  }
0xaf: {  	[dreg:$0x3] =	wrdreg s24  }
0xb0: {  	[dreg:$0x4] =	wrdreg $0x9  }
0xb1: {  	_ =	task.clear_ibuf [dreg:s7], $0x5FFFF;
	_ =	strace $0x90000049  }
0xb2: {  	s29 =	simm.s32 $0x9;
	_ =	strace $0x8000004B  }
0xb3: {  	_ =	swait.ge [sflag:s29], $0x1  }
0xb4: {  	[sflag:s29] =	ssyncadd.s32 $0xFFFFFFFF  }
0xb5: {  	_ =	strace $0x9000004B  }
0xb6: {  	_ =	sfence  }
0xb7: {  	s30 =	sld [smem:$0x0];
	_ =	sdelay $0x2  }
0xb8: {  	s31 =	sshll.u32 s1, $0xD;
	s1 =	sshrl.u32 s1, $0x2  }
0xb9: {  	s3 =	sand.u32 $0x4000, s31;
	s1 =	sadd.s32 s1, s30  }
0xba: {  	s0 =	sor.u32 s3, s0;
	s1 =	sshll.u32 s1, $0x11  }
0xbb: {  	s0 =	sor.u32 s1, s0  }
0xbc: {  	s0 =	sadd.s32 $0x8F2B, s0  }
0xbd: {  	[sflag:s0] =	ssyncadd.remote.s32 $0x1  }
0xbe: {  	_ =	sfence.sel $0xFFFF  }
0xbf: {  	[dreg:$0x0] =	wrdreg $0xFFFFFFFF;
	(pc) =	sbr.abs _section_cstart, $3  }
0xc0: {  	[dreg:$0x1] =	wrdreg $0xFFFFFFFF  }
0xc1: {  	_ =	task.clear_ibuf [dreg:s7], $0x2FFFF;
	_ =	strace $0x9FFFFFFF  }
0xc2: {  	(tm) =	ssettm $0x7FFFFFFF  }
0xc3: {  	_ =	shalt  }
tec
execute0_lowered:
.L_overlay_start_1:
0x0: {  	(tag) =	ssettag $0x1  }
0x1: {  	s2 =	rddreg [dreg:$0x0];
	s0 =	srdreg.scid  }
0x2: {  	s3 =	stileid.u32;
	s1 =	rddreg [dreg:$0x1];
	s4 =	simm.s32 $0x0  }
0x3: {  	s28 =	simm.s32 $0x400;
	s8 =	simm.s32 $0x17A00;
	s9 =	simm.s32 $0x2  }
0x4: {  	s11 =	simm.s32 $0x1B000;
	s29 =	simm.s32 $0x8;
	s30 =	simm.s32 $0xE  }
0x5: {  	s0 =	sand.u32 $0x1, s0;
	s3 =	sshll.u32 s3, $0x1;
	[smem:$0x7FF] =	sst s4  }
0x6: {  	s5 =	sadd.s32 $0xE600, s1;
	s15 =	sadd.s32 $0x10, s2;
	s17 =	sadd.s32 $0x20, s2  }
0x7: {  	s18 =	sadd.s32 $0x30, s2;
	_ =	strace $0x8000004A;
	[dreg:$0x4] =	wrdreg s15  }
0x8: {  	s19 =	sadd.s32 $0x40, s2;
	s23 =	sadd.s32 $0x50, s2;
	[dreg:$0x7] =	wrdreg s17  }
0x9: {  	s24 =	sadd.s32 $0xE610, s1;
	s25 =	sadd.s32 $0xE620, s1;
	[dreg:$0xb] =	wrdreg s23  }
0xa: {  	s26 =	sadd.s32 $0xE630, s1;
	s31 =	sadd.s32 $0xE640, s1;
	[dreg:$0xd] =	wrdreg s24  }
0xb: {  	s3 =	sor.u32 s0, s3;
	s0 =	ssub.s32 $0x2, s0;
	[dreg:$0xe] =	wrdreg s25  }
0xc: {  	s21 =	smov.u32 s18;
	s22 =	smov.u32 s19;
	[dreg:$0xf] =	wrdreg s26  }
0xd: {  	[dreg:$0x10] =	wrdreg s31;
	s26 =	simm.s32 $0x80;
	s12 =	smul.u32 $0x6C0, s3  }
0xe: {  	s24 =	simm.s32 $0x6;
	s6 =	sshrl.u32 s0, $0x1;
	s7 =	smul.u32 $0x1B000, s3  }
0xf: {  	s25 =	simm.s32 $0x7;
	s0 =	ssub.s32 s0, s6;
	s6 =	simm.s32 $0x1  }
0x10: {  	s13 =	sadd.s32 s12, s1;
	s14 =	sshrl.u32 s7, $0x3;
	s0 =	smax.u32 s0, $0x1  }
0x11: {  	s3 =	sadd.s32 $0xE00, s13;
	s16 =	sadd.s32 s2, s14;
	[dreg:$0x11] =	wrdreg s0  }
0x12: {  	s4 =	sadd.s32 s14, s15;
	s20 =	sadd.s32 s14, s19;
	[dreg:$0x3] =	wrdreg s3  }
0x13: {  	s19 =	smov.u32 s7;
	s15 =	simm.s32 $0x4;
	[dreg:$0x5] =	wrdreg s16  }
.Ltmp0:
0x14: {  	[dreg:$0x6] =	wrdreg s4;
	s4 =	sadd.s32 s14, s17;
	(pc) =	sbr.rel .LBB2_1-.Ltmp0, $4  }
0x15: {  	[dreg:$0xa] =	wrdreg s20;
	s3 =	sadd.s32 s14, s23;
	s20 =	sadd.s32 $0x360000, s7  }
0x16: {  	s23 =	sadd.s32 $0xE650, s1;
	s17 =	simm.s32 $0x5;
	[dreg:$0x8] =	wrdreg s4  }
0x17: {  	s4 =	sadd.s32 s14, s18;
	[dreg:$0xc] =	wrdreg s3;
	s3 =	simm.s32 $0x14400  }
0x18: {  	s14 =	simm.s32 $0x3;
	[dreg:$0x9] =	wrdreg s4;
	s4 =	simm.s32 $0x0  }
.LBB2_20:
0x19: {  	s0 =	simm.s32 $0x9  }
0x1a: {  	_ =	swait.ge [sflag:s0], $0x3600  }
0x1b: {  	[sflag:s0] =	ssyncset.done $0x0  }
0x1c: {  	s10 =	simm.s32 $0xA;
	[sflag:s0] =	ssyncadd.s32 $0xFFFFCA00  }
0x1d: {  	_ =	swait.ge [sflag:s10], $0x3600  }
0x1e: {  	[sflag:s10] =	ssyncset.done $0x0  }
0x1f: {  	s12 =	simm.s32 $0xB;
	[sflag:s10] =	ssyncadd.s32 $0xFFFFCA00  }
0x20: {  	_ =	swait.ge [sflag:s12], $0x3600  }
0x21: {  	[sflag:s12] =	ssyncset.done $0x0  }
0x22: {  	s13 =	simm.s32 $0xC;
	[sflag:s12] =	ssyncadd.s32 $0xFFFFCA00  }
0x23: {  	_ =	swait.ge [sflag:s13], $0x3600  }
0x24: {  	[sflag:s13] =	ssyncset.done $0x0  }
0x25: {  	s16 =	simm.s32 $0xD;
	[sflag:s13] =	ssyncadd.s32 $0xFFFFCA00  }
0x26: {  	_ =	swait.ge [sflag:s16], $0x3600  }
0x27: {  	[sflag:s16] =	ssyncset.done $0x0  }
0x28: {  	[sflag:s16] =	ssyncadd.s32 $0xFFFFCA00  }
0x29: {  	_ =	swait.ge [sflag:s30], $0x3600  }
0x2a: {  	[sflag:s30] =	ssyncset.done $0x0  }
0x2b: {  	s18 =	simm.s32 $0xF;
	[sflag:s30] =	ssyncadd.s32 $0xFFFFCA00  }
0x2c: {  	_ =	swait.ge [sflag:s18], $0x3600  }
0x2d: {  	[sflag:s18] =	ssyncset.done $0x0  }
0x2e: {  	s1 =	simm.s32 $0x10;
	[sflag:s18] =	ssyncadd.s32 $0xFFFFCA00  }
0x2f: {  	_ =	swait.ge [sflag:s1], $0x3600  }
0x30: {  	s4 =	rddreg [dreg:$0x12]  }
0x31: {  	s31 =	rddreg [dreg:$0x11];
	s4 =	sadd.s32 $0x1, s4  }
0x32: {  	p0 =	sne.s32 s4, s31  }
.Ltmp1:
0x33: {  	_ = 	snop;
	(pc) =	sbr.rel @!p0 .LBB2_21-.Ltmp1, $3  }
0x34: {  	_ =	sdelay $0x1  }
0x35: {  	[sflag:s1] =	ssyncset.done $0x0  }
0x36: {  	[sflag:s1] =	ssyncadd.s32 $0xFFFFCA00  }
.LBB2_1:
0x37: {  	[dreg:$0x12] =	wrdreg s4  }
0x38: {  	s0 =	simm.s32 $0x0;
	s1 =	rddreg [dreg:$0x3];
	s10 =	simm.s32 $0x11  }
0x39: {  	[tilespmem:s0], [sflag:$0x11] =	stream.linear.gather [hbm4b:s1+s0], $0x3600, $0x38;
	[tilespmem:$0x1E600] =	vst v63  }
0x3a: {  	_ =	swait.ge [sflag:s10], $0x3600  }
0x3b: {  	[sflag:s10] =	ssyncset.done $0x0  }
0x3c: {  	s13 =	simm.s32 $0x3600;
	s12 =	rddreg [dreg:$0x5];
	[sflag:s10] =	ssyncadd.s32 $0xFFFFCA00  }
0x3d: {  	[tilespmem:s13], [sflag:$0x1] =	stream.strided.gather [hbm4b:s12+s26], $0x3600, s28, s26, $0x38;
	[tilespmem:$0x1E600] =	vst v63  }
0x3e: {  	s18 =	simm.s32 $0x6C00;
	s16 =	rddreg [dreg:$0x6]  }
0x3f: {  	[tilespmem:s18], [sflag:$0x2] =	stream.strided.gather [hbm4b:s16+s26], $0x3600, s28, s26, $0x38;
	[tilespmem:$0x1E600] =	vst v63  }
0x40: {  	s7 =	simm.s32 $0xA200;
	s4 =	rddreg [dreg:$0x8]  }
0x41: {  	[tilespmem:s7], [sflag:$0x3] =	stream.strided.gather [hbm4b:s4+s26], $0x3600, s28, s26, $0x38;
	[tilespmem:$0x1E600] =	vst v63  }
0x42: {  	s10 =	rddreg [dreg:$0x9];
	s12 =	simm.s32 $0xD800  }
0x43: {  	[tilespmem:s12], [sflag:$0x4] =	stream.strided.gather [hbm4b:s10+s26], $0x3600, s28, s26, $0x38;
	[tilespmem:$0x1E600] =	vst v63  }
0x44: {  	s13 =	rddreg [dreg:$0xa];
	s16 =	simm.s32 $0x10E00  }
0x45: {  	[tilespmem:s16], [sflag:$0x5] =	stream.strided.gather [hbm4b:s13+s26], $0x3600, s28, s26, $0x38;
	[tilespmem:$0x1E600] =	vst v63  }
0x46: {  	s31 =	simm.s32 $0x0;
	s18 =	rddreg [dreg:$0xc]  }
0x47: {  	[tilespmem:s3], [sflag:$0x6] =	stream.strided.gather [hbm4b:s18+s26], $0x3600, s28, s26, $0x38;
	[tilespmem:$0x1E600] =	vst v63  }
.LBB2_2:
0x48: {  	_ =	swait.ge [sflag:s6], $0x3600  }
0x49: {  	[sflag:s6] =	ssyncset.done $0x0  }
0x4a: {  	s0 =	simm.s32 $0x3640;
	[sflag:s6] =	ssyncadd.s32 $0xFFFFCA00  }
0x4b: {  	s1 =	simm.s32 $0x40;
	v1 =	vld [tilespmem:s0+$0x30]  }
0x4c: {  	v2 =	vld [tilespmem:s1+$0x30]  }
0x4d: {  	v0 =	vld [tilespmem:s1+$0xFFFFFFC0]  }
0x4e: {  	v3 =	vld [tilespmem:s0+$0xFFFFFFD0]  }
0x4f: {  	v4 =	vld [tilespmem:s1+$0xFFFFFFD0]  }
0x50: {  	v5 =	vld [tilespmem:s0+$0xFFFFFFE0]  }
0x51: {  	v6 =	vld [tilespmem:s1+$0xFFFFFFE0]  }
0x52: {  	v7 =	vld [tilespmem:s0+$0xFFFFFFF0]  }
0x53: {  	v8 =	vld [tilespmem:s1+$0xFFFFFFF0]  }
0x54: {  	v9 =	vld [tilespmem:s0+$0x0]  }
0x55: {  	v10 =	vld [tilespmem:s1+$0x0];
	v2 =	vadd.f32 v2, v1  }
0x56: {  	v4 =	vadd.f32 v4, v3;
	v1 =	vld [tilespmem:s0+$0x10]  }
0x57: {  	v5 =	vadd.f32 v6, v5;
	v3 =	vld [tilespmem:s1+$0x10];
	[tilespmem:s0+$0x30] =	vst v2  }
0x58: {  	v6 =	vadd.f32 v8, v7;
	[tilespmem:s0+$0xFFFFFFD0] =	vst v4;
	v2 =	vld [tilespmem:s0+$0x20]  }
0x59: {  	[tilespmem:s0+$0xFFFFFFE0] =	vst v5;
	v5 =	vld [tilespmem:s1+$0x20]  }
0x5a: {  	s4 =	simm.s32 $0x0;
	s7 =	simm.s32 $0x36C0;
	v4 =	vld [tilespmem:s0+$0xFFFFFFC0];
	[tilespmem:s0+$0xFFFFFFF0] =	vst v6;
	v6 =	vadd.f32 v10, v9  }
.LBB2_3:
0x5b: {  	v7 =	vld [tilespmem:s7+$0x30];
	s1 =	sadd.s32 $0x80, s1  }
0x5c: {  	s4 =	sadd.s32 $0x8, s4;
	v8 =	vld [tilespmem:s1+$0x30];
	[tilespmem:s0+$0x0] =	vst v6;
	v1 =	vadd.f32 v3, v1  }
0x5d: {  	p0 =	slt.u32 s4, $0x358;
	v3 =	vld [tilespmem:s1+$0xFFFFFFC0]  }
0x5e: {  	v6 =	vld [tilespmem:s7+$0xFFFFFFD0];
	[tilespmem:s0+$0x10] =	vst v1;
	v1 =	vadd.f32 v5, v2  }
0x5f: {  	v2 =	vld [tilespmem:s1+$0xFFFFFFD0];
	v9 =	vadd.f32 v0, v4  }
0x60: {  	v4 =	vld [tilespmem:s7+$0xFFFFFFE0];
	[tilespmem:s0+$0x20] =	vst v1  }
0x61: {  	v1 =	vld [tilespmem:s1+$0xFFFFFFE0];
	v5 =	vadd.f32 v8, v7;
	[tilespmem:s0+$0xFFFFFFC0] =	vst v9;
	s0 =	smov.u32 s7  }
0x62: {  	v7 =	vld [tilespmem:s7+$0xFFFFFFF0];
	v0 =	vmov v3  }
0x63: {  	v8 =	vld [tilespmem:s1+$0xFFFFFFF0];
	[tilespmem:s7+$0x30] =	vst v5  }
0x64: {  	v2 =	vadd.f32 v2, v6;
	v6 =	vld [tilespmem:s7+$0x0]  }
0x65: {  	v9 =	vld [tilespmem:s1+$0x0]  }
.Ltmp2:
0x66: {  	[tilespmem:s7+$0xFFFFFFD0] =	vst v2;
	v2 =	vadd.f32 v1, v4;
	v1 =	vld [tilespmem:s7+$0x10];
	(pc) =	sbr.rel @p0 .LBB2_3-.Ltmp2, $4  }
0x67: {  	v3 =	vld [tilespmem:s1+$0x10]  }
0x68: {  	[tilespmem:s7+$0xFFFFFFE0] =	vst v2;
	v7 =	vadd.f32 v8, v7;
	v2 =	vld [tilespmem:s7+$0x20]  }
0x69: {  	v5 =	vld [tilespmem:s1+$0x20]  }
0x6a: {  	s7 =	sadd.s32 $0x80, s7;
	v4 =	vld [tilespmem:s0+$0xFFFFFFC0];
	[tilespmem:s0+$0xFFFFFFF0] =	vst v7;
	v6 =	vadd.f32 v9, v6  }
0x6b: {  	_ =	sdelay $0x1  }
0x6c: {  	s1 =	smul.u32 $0x360000, s31;
	v1 =	vadd.f32 v3, v1  }
0x6d: {  	[tilespmem:s0+$0x0] =	vst v6;
	v2 =	vadd.f32 v5, v2  }
0x6e: {  	s4 =	sadd.s32 s19, s1;
	[tilespmem:s0+$0x10] =	vst v1;
	v0 =	vadd.f32 v0, v4  }
0x6f: {  	p0 =	seq.s32 s31, $0x0;
	s4 =	sshrl.u32 s4, $0x3;
	[tilespmem:s0+$0x20] =	vst v2  }
0x70: {  	s7 =	simm.s32 $0x3600;
	s16 =	sadd.s32 s5, s4;
	[tilespmem:s0+$0xFFFFFFC0] =	vst v0;
	s0 =	simm.s32 @!p0 $0xF  }
0x71: {  	[hbm4b:s16+s26] =	stream.strided.scatter [tilespmem:s7], [sflag:$0x9], $0x3600, s28, s26, $0x38;
	[tilespmem:$0x1E600] =	vst v63  }
0x72: {  	_ =	swait.ge @!p0 [sflag:s0], $0x3600  }
0x73: {  	s16 =	sor.u32 $0x60, s4;
	[sflag:s0] =	ssyncset.done @!p0 $0x0  }
0x74: {  	s18 =	sadd.s32 s2, s16;
	[sflag:s0] =	ssyncadd.s32 @!p0 $0xFFFFCA00  }
0x75: {  	[tilespmem:s8], [sflag:$0x7] =	stream.strided.gather [hbm4b:s18+s26], $0x3600, s28, s26, $0x38;
	[tilespmem:$0x1E600] =	vst v63  }
0x76: {  	_ =	swait.ge [sflag:s9], $0x3600  }
0x77: {  	[sflag:s9] =	ssyncset.done $0x0  }
0x78: {  	s0 =	simm.s32 $0x6C40;
	[sflag:s9] =	ssyncadd.s32 $0xFFFFCA00  }
0x79: {  	s7 =	simm.s32 $0x40;
	v1 =	vld [tilespmem:s0+$0x30]  }
0x7a: {  	v2 =	vld [tilespmem:s7+$0x30]  }
0x7b: {  	v0 =	vld [tilespmem:s7+$0xFFFFFFC0]  }
0x7c: {  	v3 =	vld [tilespmem:s0+$0xFFFFFFD0]  }
0x7d: {  	v4 =	vld [tilespmem:s7+$0xFFFFFFD0]  }
0x7e: {  	v5 =	vld [tilespmem:s0+$0xFFFFFFE0]  }
0x7f: {  	v6 =	vld [tilespmem:s7+$0xFFFFFFE0]  }
0x80: {  	v7 =	vld [tilespmem:s0+$0xFFFFFFF0]  }
0x81: {  	v8 =	vld [tilespmem:s7+$0xFFFFFFF0]  }
0x82: {  	v9 =	vld [tilespmem:s0+$0x0]  }
0x83: {  	v10 =	vld [tilespmem:s7+$0x0];
	v2 =	vadd.f32 v2, v1  }
0x84: {  	v4 =	vadd.f32 v4, v3;
	v1 =	vld [tilespmem:s0+$0x10]  }
0x85: {  	v5 =	vadd.f32 v6, v5;
	v3 =	vld [tilespmem:s7+$0x10];
	[tilespmem:s0+$0x30] =	vst v2  }
0x86: {  	v6 =	vadd.f32 v8, v7;
	[tilespmem:s0+$0xFFFFFFD0] =	vst v4;
	v2 =	vld [tilespmem:s0+$0x20]  }
0x87: {  	[tilespmem:s0+$0xFFFFFFE0] =	vst v5;
	v5 =	vld [tilespmem:s7+$0x20]  }
0x88: {  	s10 =	simm.s32 $0x0;
	s12 =	simm.s32 $0x6CC0;
	v4 =	vld [tilespmem:s0+$0xFFFFFFC0];
	[tilespmem:s0+$0xFFFFFFF0] =	vst v6;
	v6 =	vadd.f32 v10, v9  }
.LBB2_5:
0x89: {  	v7 =	vld [tilespmem:s12+$0x30];
	s7 =	sadd.s32 $0x80, s7  }
0x8a: {  	s10 =	sadd.s32 $0x8, s10;
	v8 =	vld [tilespmem:s7+$0x30];
	[tilespmem:s0+$0x0] =	vst v6;
	v1 =	vadd.f32 v3, v1  }
0x8b: {  	p1 =	slt.u32 s10, $0x358;
	v3 =	vld [tilespmem:s7+$0xFFFFFFC0]  }
0x8c: {  	v6 =	vld [tilespmem:s12+$0xFFFFFFD0];
	[tilespmem:s0+$0x10] =	vst v1;
	v1 =	vadd.f32 v5, v2  }
0x8d: {  	v2 =	vld [tilespmem:s7+$0xFFFFFFD0];
	v9 =	vadd.f32 v0, v4  }
0x8e: {  	v4 =	vld [tilespmem:s12+$0xFFFFFFE0];
	[tilespmem:s0+$0x20] =	vst v1  }
0x8f: {  	v1 =	vld [tilespmem:s7+$0xFFFFFFE0];
	v5 =	vadd.f32 v8, v7;
	[tilespmem:s0+$0xFFFFFFC0] =	vst v9;
	s0 =	smov.u32 s12  }
0x90: {  	v7 =	vld [tilespmem:s12+$0xFFFFFFF0];
	v0 =	vmov v3  }
0x91: {  	v8 =	vld [tilespmem:s7+$0xFFFFFFF0];
	[tilespmem:s12+$0x30] =	vst v5  }
0x92: {  	v2 =	vadd.f32 v2, v6;
	v6 =	vld [tilespmem:s12+$0x0]  }
0x93: {  	v9 =	vld [tilespmem:s7+$0x0]  }
.Ltmp3:
0x94: {  	[tilespmem:s12+$0xFFFFFFD0] =	vst v2;
	v2 =	vadd.f32 v1, v4;
	v1 =	vld [tilespmem:s12+$0x10];
	(pc) =	sbr.rel @p1 .LBB2_5-.Ltmp3, $4  }
0x95: {  	v3 =	vld [tilespmem:s7+$0x10]  }
0x96: {  	[tilespmem:s12+$0xFFFFFFE0] =	vst v2;
	v7 =	vadd.f32 v8, v7;
	v2 =	vld [tilespmem:s12+$0x20]  }
0x97: {  	v5 =	vld [tilespmem:s7+$0x20]  }
0x98: {  	s12 =	sadd.s32 $0x80, s12;
	v4 =	vld [tilespmem:s0+$0xFFFFFFC0];
	[tilespmem:s0+$0xFFFFFFF0] =	vst v7;
	v6 =	vadd.f32 v9, v6  }
0x99: {  	_ =	sdelay $0x1  }
0x9a: {  	v1 =	vadd.f32 v3, v1  }
0x9b: {  	[tilespmem:s0+$0x0] =	vst v6;
	v2 =	vadd.f32 v5, v2  }
0x9c: {  	[tilespmem:s0+$0x10] =	vst v1;
	v0 =	vadd.f32 v0, v4  }
0x9d: {  	[tilespmem:s0+$0x20] =	vst v2  }
0x9e: {  	[tilespmem:s0+$0xFFFFFFC0] =	vst v0  }
0x9f: {  	s0 =	rddreg [dreg:$0xd]  }
0xa0: {  	s7 =	simm.s32 $0x6C00;
	s0 =	sadd.s32 s4, s0  }
0xa1: {  	[hbm4b:s0+s26] =	stream.strided.scatter [tilespmem:s7], [sflag:$0xA], $0x3600, s28, s26, $0x38;
	[tilespmem:$0x1E600] =	vst v63  }
0xa2: {  	s7 =	simm.s32 @!p0 $0x10  }
0xa3: {  	_ =	swait.ge @!p0 [sflag:s7], $0x3600  }
0xa4: {  	s0 =	sor.u32 $0x70, s4;
	[sflag:s7] =	ssyncset.done @!p0 $0x0  }
0xa5: {  	s18 =	sadd.s32 s2, s0;
	[sflag:s7] =	ssyncadd.s32 @!p0 $0xFFFFCA00  }
0xa6: {  	[tilespmem:s11], [sflag:$0x8] =	stream.strided.gather [hbm4b:s18+s26], $0x3600, s28, s26, $0x38;
	[tilespmem:$0x1E600] =	vst v63  }
0xa7: {  	_ =	swait.ge [sflag:s14], $0x3600  }
0xa8: {  	[sflag:s14] =	ssyncset.done $0x0  }
0xa9: {  	s7 =	simm.s32 $0xA240;
	[sflag:s14] =	ssyncadd.s32 $0xFFFFCA00  }
0xaa: {  	s10 =	simm.s32 $0x40;
	v1 =	vld [tilespmem:s7+$0x30]  }
0xab: {  	v2 =	vld [tilespmem:s10+$0x30]  }
0xac: {  	v0 =	vld [tilespmem:s10+$0xFFFFFFC0]  }
0xad: {  	v3 =	vld [tilespmem:s7+$0xFFFFFFD0]  }
0xae: {  	v4 =	vld [tilespmem:s10+$0xFFFFFFD0]  }
0xaf: {  	v5 =	vld [tilespmem:s7+$0xFFFFFFE0]  }
0xb0: {  	v6 =	vld [tilespmem:s10+$0xFFFFFFE0]  }
0xb1: {  	v7 =	vld [tilespmem:s7+$0xFFFFFFF0]  }
0xb2: {  	v8 =	vld [tilespmem:s10+$0xFFFFFFF0]  }
0xb3: {  	v9 =	vld [tilespmem:s7+$0x0]  }
0xb4: {  	v10 =	vld [tilespmem:s10+$0x0];
	v2 =	vadd.f32 v2, v1  }
0xb5: {  	v4 =	vadd.f32 v4, v3;
	v1 =	vld [tilespmem:s7+$0x10]  }
0xb6: {  	v5 =	vadd.f32 v6, v5;
	v3 =	vld [tilespmem:s10+$0x10];
	[tilespmem:s7+$0x30] =	vst v2  }
0xb7: {  	v6 =	vadd.f32 v8, v7;
	[tilespmem:s7+$0xFFFFFFD0] =	vst v4;
	v2 =	vld [tilespmem:s7+$0x20]  }
0xb8: {  	[tilespmem:s7+$0xFFFFFFE0] =	vst v5;
	v5 =	vld [tilespmem:s10+$0x20]  }
0xb9: {  	s12 =	simm.s32 $0x0;
	s13 =	simm.s32 $0xA2C0;
	v4 =	vld [tilespmem:s7+$0xFFFFFFC0];
	[tilespmem:s7+$0xFFFFFFF0] =	vst v6;
	v6 =	vadd.f32 v10, v9  }
.LBB2_7:
0xba: {  	v7 =	vld [tilespmem:s13+$0x30];
	s10 =	sadd.s32 $0x80, s10  }
0xbb: {  	s12 =	sadd.s32 $0x8, s12;
	v8 =	vld [tilespmem:s10+$0x30];
	[tilespmem:s7+$0x0] =	vst v6;
	v1 =	vadd.f32 v3, v1  }
0xbc: {  	p0 =	slt.u32 s12, $0x358;
	v3 =	vld [tilespmem:s10+$0xFFFFFFC0]  }
0xbd: {  	v6 =	vld [tilespmem:s13+$0xFFFFFFD0];
	[tilespmem:s7+$0x10] =	vst v1;
	v1 =	vadd.f32 v5, v2  }
0xbe: {  	v2 =	vld [tilespmem:s10+$0xFFFFFFD0];
	v9 =	vadd.f32 v0, v4  }
0xbf: {  	v4 =	vld [tilespmem:s13+$0xFFFFFFE0];
	[tilespmem:s7+$0x20] =	vst v1  }
0xc0: {  	v1 =	vld [tilespmem:s10+$0xFFFFFFE0];
	v5 =	vadd.f32 v8, v7;
	[tilespmem:s7+$0xFFFFFFC0] =	vst v9;
	s7 =	smov.u32 s13  }
0xc1: {  	v7 =	vld [tilespmem:s13+$0xFFFFFFF0];
	v0 =	vmov v3  }
0xc2: {  	v8 =	vld [tilespmem:s10+$0xFFFFFFF0];
	[tilespmem:s13+$0x30] =	vst v5  }
0xc3: {  	v2 =	vadd.f32 v2, v6;
	v6 =	vld [tilespmem:s13+$0x0]  }
0xc4: {  	v9 =	vld [tilespmem:s10+$0x0]  }
.Ltmp4:
0xc5: {  	[tilespmem:s13+$0xFFFFFFD0] =	vst v2;
	v2 =	vadd.f32 v1, v4;
	v1 =	vld [tilespmem:s13+$0x10];
	(pc) =	sbr.rel @p0 .LBB2_7-.Ltmp4, $4  }
0xc6: {  	v3 =	vld [tilespmem:s10+$0x10]  }
0xc7: {  	[tilespmem:s13+$0xFFFFFFE0] =	vst v2;
	v7 =	vadd.f32 v8, v7;
	v2 =	vld [tilespmem:s13+$0x20]  }
0xc8: {  	v5 =	vld [tilespmem:s10+$0x20]  }
0xc9: {  	s13 =	sadd.s32 $0x80, s13;
	v4 =	vld [tilespmem:s7+$0xFFFFFFC0];
	[tilespmem:s7+$0xFFFFFFF0] =	vst v7;
	v6 =	vadd.f32 v9, v6  }
0xca: {  	_ =	sdelay $0x1  }
0xcb: {  	v1 =	vadd.f32 v3, v1  }
0xcc: {  	[tilespmem:s7+$0x0] =	vst v6;
	v2 =	vadd.f32 v5, v2  }
0xcd: {  	[tilespmem:s7+$0x10] =	vst v1;
	v0 =	vadd.f32 v0, v4  }
0xce: {  	[tilespmem:s7+$0x20] =	vst v2  }
0xcf: {  	[tilespmem:s7+$0xFFFFFFC0] =	vst v0  }
0xd0: {  	s7 =	rddreg [dreg:$0xe]  }
0xd1: {  	s10 =	simm.s32 $0xA200;
	p0 =	seq.s32 s31, $0x7;
	s7 =	sadd.s32 s4, s7  }
0xd2: {  	[hbm4b:s7+s26] =	stream.strided.scatter [tilespmem:s10], [sflag:$0xB], $0x3600, s28, s26, $0x38;
	[tilespmem:$0x1E600] =	vst v63  }
0xd3: {  	s10 =	simm.s32 @!p0 $0x9  }
0xd4: {  	s12 =	simm.s32 @!p0 $0x80;
	s7 =	sadd.s32 @!p0 s1, s20;
	_ =	swait.ge @!p0 [sflag:s10], $0x3600  }
0xd5: {  	s13 =	simm.s32 @!p0 $0x400;
	s7 =	sshrl.u32 @!p0 s7, $0x3;
	[sflag:s10] =	ssyncset.done @!p0 $0x0  }
0xd6: {  	s18 =	simm.s32 @!p0 $0x3600;
	[sflag:s10] =	ssyncadd.s32 @!p0 $0xFFFFCA00;
	s10 =	sadd.s32 @!p0 s2, s7  }
0xd7: {  	[tilespmem:s18], [sflag:$0x1] =	stream.strided.gather @!p0 [hbm4b:s10+s12], $0x3600, s13, s12, $0x38;
	[tilespmem:$0x1E600] =	vst v63  }
0xd8: {  	_ =	swait.ge [sflag:s15], $0x3600  }
0xd9: {  	[sflag:s15] =	ssyncset.done $0x0  }
0xda: {  	s10 =	simm.s32 $0xD840;
	[sflag:s15] =	ssyncadd.s32 $0xFFFFCA00  }
0xdb: {  	s12 =	simm.s32 $0x40;
	v1 =	vld [tilespmem:s10+$0x30]  }
0xdc: {  	v2 =	vld [tilespmem:s12+$0x30]  }
0xdd: {  	v0 =	vld [tilespmem:s12+$0xFFFFFFC0]  }
0xde: {  	v3 =	vld [tilespmem:s10+$0xFFFFFFD0]  }
0xdf: {  	v4 =	vld [tilespmem:s12+$0xFFFFFFD0]  }
0xe0: {  	v5 =	vld [tilespmem:s10+$0xFFFFFFE0]  }
0xe1: {  	v6 =	vld [tilespmem:s12+$0xFFFFFFE0]  }
0xe2: {  	v7 =	vld [tilespmem:s10+$0xFFFFFFF0]  }
0xe3: {  	v8 =	vld [tilespmem:s12+$0xFFFFFFF0]  }
0xe4: {  	v9 =	vld [tilespmem:s10+$0x0]  }
0xe5: {  	v10 =	vld [tilespmem:s12+$0x0];
	v2 =	vadd.f32 v2, v1  }
0xe6: {  	v4 =	vadd.f32 v4, v3;
	v1 =	vld [tilespmem:s10+$0x10]  }
0xe7: {  	v5 =	vadd.f32 v6, v5;
	v3 =	vld [tilespmem:s12+$0x10];
	[tilespmem:s10+$0x30] =	vst v2  }
0xe8: {  	v6 =	vadd.f32 v8, v7;
	[tilespmem:s10+$0xFFFFFFD0] =	vst v4;
	v2 =	vld [tilespmem:s10+$0x20]  }
0xe9: {  	[tilespmem:s10+$0xFFFFFFE0] =	vst v5;
	v5 =	vld [tilespmem:s12+$0x20]  }
0xea: {  	s13 =	simm.s32 $0x0;
	s18 =	simm.s32 $0xD8C0;
	v4 =	vld [tilespmem:s10+$0xFFFFFFC0];
	[tilespmem:s10+$0xFFFFFFF0] =	vst v6;
	v6 =	vadd.f32 v10, v9  }
.LBB2_9:
0xeb: {  	v7 =	vld [tilespmem:s18+$0x30];
	s12 =	sadd.s32 $0x80, s12  }
0xec: {  	s13 =	sadd.s32 $0x8, s13;
	v8 =	vld [tilespmem:s12+$0x30];
	[tilespmem:s10+$0x0] =	vst v6;
	v1 =	vadd.f32 v3, v1  }
0xed: {  	p1 =	slt.u32 s13, $0x358;
	v3 =	vld [tilespmem:s12+$0xFFFFFFC0]  }
0xee: {  	v6 =	vld [tilespmem:s18+$0xFFFFFFD0];
	[tilespmem:s10+$0x10] =	vst v1;
	v1 =	vadd.f32 v5, v2  }
0xef: {  	v2 =	vld [tilespmem:s12+$0xFFFFFFD0];
	v9 =	vadd.f32 v0, v4  }
0xf0: {  	v4 =	vld [tilespmem:s18+$0xFFFFFFE0];
	[tilespmem:s10+$0x20] =	vst v1  }
0xf1: {  	v1 =	vld [tilespmem:s12+$0xFFFFFFE0];
	v5 =	vadd.f32 v8, v7;
	[tilespmem:s10+$0xFFFFFFC0] =	vst v9;
	s10 =	smov.u32 s18  }
0xf2: {  	v7 =	vld [tilespmem:s18+$0xFFFFFFF0];
	v0 =	vmov v3  }
0xf3: {  	v8 =	vld [tilespmem:s12+$0xFFFFFFF0];
	[tilespmem:s18+$0x30] =	vst v5  }
0xf4: {  	v2 =	vadd.f32 v2, v6;
	v6 =	vld [tilespmem:s18+$0x0]  }
0xf5: {  	v9 =	vld [tilespmem:s12+$0x0]  }
.Ltmp5:
0xf6: {  	[tilespmem:s18+$0xFFFFFFD0] =	vst v2;
	v2 =	vadd.f32 v1, v4;
	v1 =	vld [tilespmem:s18+$0x10];
	(pc) =	sbr.rel @p1 .LBB2_9-.Ltmp5, $4  }
0xf7: {  	v3 =	vld [tilespmem:s12+$0x10]  }
0xf8: {  	[tilespmem:s18+$0xFFFFFFE0] =	vst v2;
	v7 =	vadd.f32 v8, v7;
	v2 =	vld [tilespmem:s18+$0x20]  }
0xf9: {  	v5 =	vld [tilespmem:s12+$0x20]  }
0xfa: {  	s18 =	sadd.s32 $0x80, s18;
	v4 =	vld [tilespmem:s10+$0xFFFFFFC0];
	[tilespmem:s10+$0xFFFFFFF0] =	vst v7;
	v6 =	vadd.f32 v9, v6  }
0xfb: {  	_ =	sdelay $0x1  }
0xfc: {  	v1 =	vadd.f32 v3, v1  }
0xfd: {  	[tilespmem:s10+$0x0] =	vst v6;
	v2 =	vadd.f32 v5, v2  }
0xfe: {  	[tilespmem:s10+$0x10] =	vst v1;
	v0 =	vadd.f32 v0, v4  }
0xff: {  	[tilespmem:s10+$0x20] =	vst v2  }
0x100: {  	[tilespmem:s10+$0xFFFFFFC0] =	vst v0  }
0x101: {  	s10 =	rddreg [dreg:$0xf]  }
0x102: {  	s12 =	simm.s32 $0xD800;
	s10 =	sadd.s32 s4, s10  }
0x103: {  	[hbm4b:s10+s26] =	stream.strided.scatter [tilespmem:s12], [sflag:$0xC], $0x3600, s28, s26, $0x38;
	[tilespmem:$0x1E600] =	vst v63  }
0x104: {  	s10 =	simm.s32 @!p0 $0xA  }
0x105: {  	_ =	swait.ge @!p0 [sflag:s10], $0x3600  }
0x106: {  	[sflag:s10] =	ssyncset.done @!p0 $0x0  }
0x107: {  	s13 =	simm.s32 @!p0 $0x400;
	[sflag:s10] =	ssyncadd.s32 @!p0 $0xFFFFCA00;
	s10 =	rddreg [dreg:$0x4]  }
0x108: {  	s18 =	simm.s32 @!p0 $0x6C00;
	s12 =	simm.s32 @!p0 $0x80;
	s10 =	sadd.s32 @!p0 s7, s10  }
0x109: {  	[tilespmem:s18], [sflag:$0x2] =	stream.strided.gather @!p0 [hbm4b:s10+s12], $0x3600, s13, s12, $0x38;
	[tilespmem:$0x1E600] =	vst v63  }
0x10a: {  	_ =	swait.ge [sflag:s17], $0x3600  }
0x10b: {  	[sflag:s17] =	ssyncset.done $0x0  }
0x10c: {  	s10 =	simm.s32 $0x10E40;
	[sflag:s17] =	ssyncadd.s32 $0xFFFFCA00  }
0x10d: {  	s12 =	simm.s32 $0x40;
	v1 =	vld [tilespmem:s10+$0x30]  }
0x10e: {  	v2 =	vld [tilespmem:s12+$0x30]  }
0x10f: {  	v0 =	vld [tilespmem:s12+$0xFFFFFFC0]  }
0x110: {  	v3 =	vld [tilespmem:s10+$0xFFFFFFD0]  }
0x111: {  	v4 =	vld [tilespmem:s12+$0xFFFFFFD0]  }
0x112: {  	v5 =	vld [tilespmem:s10+$0xFFFFFFE0]  }
0x113: {  	v6 =	vld [tilespmem:s12+$0xFFFFFFE0]  }
0x114: {  	v7 =	vld [tilespmem:s10+$0xFFFFFFF0]  }
0x115: {  	v8 =	vld [tilespmem:s12+$0xFFFFFFF0]  }
0x116: {  	v9 =	vld [tilespmem:s10+$0x0]  }
0x117: {  	v10 =	vld [tilespmem:s12+$0x0];
	v2 =	vadd.f32 v2, v1  }
0x118: {  	v4 =	vadd.f32 v4, v3;
	v1 =	vld [tilespmem:s10+$0x10]  }
0x119: {  	v5 =	vadd.f32 v6, v5;
	v3 =	vld [tilespmem:s12+$0x10];
	[tilespmem:s10+$0x30] =	vst v2  }
0x11a: {  	v6 =	vadd.f32 v8, v7;
	[tilespmem:s10+$0xFFFFFFD0] =	vst v4;
	v2 =	vld [tilespmem:s10+$0x20]  }
0x11b: {  	[tilespmem:s10+$0xFFFFFFE0] =	vst v5;
	v5 =	vld [tilespmem:s12+$0x20]  }
0x11c: {  	s13 =	simm.s32 $0x0;
	s18 =	simm.s32 $0x10EC0;
	v4 =	vld [tilespmem:s10+$0xFFFFFFC0];
	[tilespmem:s10+$0xFFFFFFF0] =	vst v6;
	v6 =	vadd.f32 v10, v9  }
.LBB2_11:
0x11d: {  	v7 =	vld [tilespmem:s18+$0x30];
	s12 =	sadd.s32 $0x80, s12  }
0x11e: {  	s13 =	sadd.s32 $0x8, s13;
	v8 =	vld [tilespmem:s12+$0x30];
	[tilespmem:s10+$0x0] =	vst v6;
	v1 =	vadd.f32 v3, v1  }
0x11f: {  	p1 =	slt.u32 s13, $0x358;
	v3 =	vld [tilespmem:s12+$0xFFFFFFC0]  }
0x120: {  	v6 =	vld [tilespmem:s18+$0xFFFFFFD0];
	[tilespmem:s10+$0x10] =	vst v1;
	v1 =	vadd.f32 v5, v2  }
0x121: {  	v2 =	vld [tilespmem:s12+$0xFFFFFFD0];
	v9 =	vadd.f32 v0, v4  }
0x122: {  	v4 =	vld [tilespmem:s18+$0xFFFFFFE0];
	[tilespmem:s10+$0x20] =	vst v1  }
0x123: {  	v1 =	vld [tilespmem:s12+$0xFFFFFFE0];
	v5 =	vadd.f32 v8, v7;
	[tilespmem:s10+$0xFFFFFFC0] =	vst v9;
	s10 =	smov.u32 s18  }
0x124: {  	v7 =	vld [tilespmem:s18+$0xFFFFFFF0];
	v0 =	vmov v3  }
0x125: {  	v8 =	vld [tilespmem:s12+$0xFFFFFFF0];
	[tilespmem:s18+$0x30] =	vst v5  }
0x126: {  	v2 =	vadd.f32 v2, v6;
	v6 =	vld [tilespmem:s18+$0x0]  }
0x127: {  	v9 =	vld [tilespmem:s12+$0x0]  }
.Ltmp6:
0x128: {  	[tilespmem:s18+$0xFFFFFFD0] =	vst v2;
	v2 =	vadd.f32 v1, v4;
	v1 =	vld [tilespmem:s18+$0x10];
	(pc) =	sbr.rel @p1 .LBB2_11-.Ltmp6, $4  }
0x129: {  	v3 =	vld [tilespmem:s12+$0x10]  }
0x12a: {  	[tilespmem:s18+$0xFFFFFFE0] =	vst v2;
	v7 =	vadd.f32 v8, v7;
	v2 =	vld [tilespmem:s18+$0x20]  }
0x12b: {  	v5 =	vld [tilespmem:s12+$0x20]  }
0x12c: {  	s18 =	sadd.s32 $0x80, s18;
	v4 =	vld [tilespmem:s10+$0xFFFFFFC0];
	[tilespmem:s10+$0xFFFFFFF0] =	vst v7;
	v6 =	vadd.f32 v9, v6  }
0x12d: {  	_ =	sdelay $0x1  }
0x12e: {  	v1 =	vadd.f32 v3, v1  }
0x12f: {  	[tilespmem:s10+$0x0] =	vst v6;
	v2 =	vadd.f32 v5, v2  }
0x130: {  	[tilespmem:s10+$0x10] =	vst v1;
	v0 =	vadd.f32 v0, v4  }
0x131: {  	[tilespmem:s10+$0x20] =	vst v2  }
0x132: {  	[tilespmem:s10+$0xFFFFFFC0] =	vst v0  }
0x133: {  	s10 =	rddreg [dreg:$0x10]  }
0x134: {  	s12 =	simm.s32 $0x10E00;
	s10 =	sadd.s32 s4, s10  }
0x135: {  	[hbm4b:s10+s26] =	stream.strided.scatter [tilespmem:s12], [sflag:$0xD], $0x3600, s28, s26, $0x38;
	[tilespmem:$0x1E600] =	vst v63  }
0x136: {  	s10 =	simm.s32 @!p0 $0xB  }
0x137: {  	_ =	swait.ge @!p0 [sflag:s10], $0x3600  }
0x138: {  	[sflag:s10] =	ssyncset.done @!p0 $0x0  }
0x139: {  	s13 =	simm.s32 @!p0 $0x400;
	[sflag:s10] =	ssyncadd.s32 @!p0 $0xFFFFCA00;
	s10 =	rddreg [dreg:$0x7]  }
0x13a: {  	s18 =	simm.s32 @!p0 $0xA200;
	s12 =	simm.s32 @!p0 $0x80;
	s10 =	sadd.s32 @!p0 s7, s10  }
0x13b: {  	[tilespmem:s18], [sflag:$0x3] =	stream.strided.gather @!p0 [hbm4b:s10+s12], $0x3600, s13, s12, $0x38;
	[tilespmem:$0x1E600] =	vst v63  }
0x13c: {  	_ =	swait.ge [sflag:s24], $0x3600  }
0x13d: {  	[sflag:s24] =	ssyncset.done $0x0  }
0x13e: {  	s10 =	simm.s32 $0x14440;
	[sflag:s24] =	ssyncadd.s32 $0xFFFFCA00  }
0x13f: {  	s12 =	simm.s32 $0x40;
	v1 =	vld [tilespmem:s10+$0x30]  }
0x140: {  	v2 =	vld [tilespmem:s12+$0x30]  }
0x141: {  	v0 =	vld [tilespmem:s12+$0xFFFFFFC0]  }
0x142: {  	v3 =	vld [tilespmem:s10+$0xFFFFFFD0]  }
0x143: {  	v4 =	vld [tilespmem:s12+$0xFFFFFFD0]  }
0x144: {  	v5 =	vld [tilespmem:s10+$0xFFFFFFE0]  }
0x145: {  	v6 =	vld [tilespmem:s12+$0xFFFFFFE0]  }
0x146: {  	v7 =	vld [tilespmem:s10+$0xFFFFFFF0]  }
0x147: {  	v8 =	vld [tilespmem:s12+$0xFFFFFFF0]  }
0x148: {  	v9 =	vld [tilespmem:s10+$0x0]  }
0x149: {  	v10 =	vld [tilespmem:s12+$0x0];
	v2 =	vadd.f32 v2, v1  }
0x14a: {  	v4 =	vadd.f32 v4, v3;
	v1 =	vld [tilespmem:s10+$0x10]  }
0x14b: {  	v5 =	vadd.f32 v6, v5;
	v3 =	vld [tilespmem:s12+$0x10];
	[tilespmem:s10+$0x30] =	vst v2  }
0x14c: {  	v6 =	vadd.f32 v8, v7;
	[tilespmem:s10+$0xFFFFFFD0] =	vst v4;
	v2 =	vld [tilespmem:s10+$0x20]  }
0x14d: {  	[tilespmem:s10+$0xFFFFFFE0] =	vst v5;
	v5 =	vld [tilespmem:s12+$0x20]  }
0x14e: {  	s13 =	simm.s32 $0x0;
	s18 =	simm.s32 $0x144C0;
	v4 =	vld [tilespmem:s10+$0xFFFFFFC0];
	[tilespmem:s10+$0xFFFFFFF0] =	vst v6;
	v6 =	vadd.f32 v10, v9  }
.LBB2_13:
0x14f: {  	v7 =	vld [tilespmem:s18+$0x30];
	s12 =	sadd.s32 $0x80, s12  }
0x150: {  	s13 =	sadd.s32 $0x8, s13;
	v8 =	vld [tilespmem:s12+$0x30];
	[tilespmem:s10+$0x0] =	vst v6;
	v1 =	vadd.f32 v3, v1  }
0x151: {  	p1 =	slt.u32 s13, $0x358;
	v3 =	vld [tilespmem:s12+$0xFFFFFFC0]  }
0x152: {  	v6 =	vld [tilespmem:s18+$0xFFFFFFD0];
	[tilespmem:s10+$0x10] =	vst v1;
	v1 =	vadd.f32 v5, v2  }
0x153: {  	v2 =	vld [tilespmem:s12+$0xFFFFFFD0];
	v9 =	vadd.f32 v0, v4  }
0x154: {  	v4 =	vld [tilespmem:s18+$0xFFFFFFE0];
	[tilespmem:s10+$0x20] =	vst v1  }
0x155: {  	v1 =	vld [tilespmem:s12+$0xFFFFFFE0];
	v5 =	vadd.f32 v8, v7;
	[tilespmem:s10+$0xFFFFFFC0] =	vst v9;
	s10 =	smov.u32 s18  }
0x156: {  	v7 =	vld [tilespmem:s18+$0xFFFFFFF0];
	v0 =	vmov v3  }
0x157: {  	v8 =	vld [tilespmem:s12+$0xFFFFFFF0];
	[tilespmem:s18+$0x30] =	vst v5  }
0x158: {  	v2 =	vadd.f32 v2, v6;
	v6 =	vld [tilespmem:s18+$0x0]  }
0x159: {  	v9 =	vld [tilespmem:s12+$0x0]  }
.Ltmp7:
0x15a: {  	[tilespmem:s18+$0xFFFFFFD0] =	vst v2;
	v2 =	vadd.f32 v1, v4;
	v1 =	vld [tilespmem:s18+$0x10];
	(pc) =	sbr.rel @p1 .LBB2_13-.Ltmp7, $4  }
0x15b: {  	v3 =	vld [tilespmem:s12+$0x10]  }
0x15c: {  	[tilespmem:s18+$0xFFFFFFE0] =	vst v2;
	v7 =	vadd.f32 v8, v7;
	v2 =	vld [tilespmem:s18+$0x20]  }
0x15d: {  	v5 =	vld [tilespmem:s12+$0x20]  }
0x15e: {  	s18 =	sadd.s32 $0x80, s18;
	v4 =	vld [tilespmem:s10+$0xFFFFFFC0];
	[tilespmem:s10+$0xFFFFFFF0] =	vst v7;
	v6 =	vadd.f32 v9, v6  }
0x15f: {  	_ =	sdelay $0x1  }
0x160: {  	v1 =	vadd.f32 v3, v1  }
0x161: {  	[tilespmem:s10+$0x0] =	vst v6;
	v2 =	vadd.f32 v5, v2  }
0x162: {  	[tilespmem:s10+$0x10] =	vst v1;
	v0 =	vadd.f32 v0, v4  }
0x163: {  	[tilespmem:s10+$0x20] =	vst v2  }
0x164: {  	s4 =	sadd.s32 s4, s23;
	[tilespmem:s10+$0xFFFFFFC0] =	vst v0  }
0x165: {  	[hbm4b:s4+s26] =	stream.strided.scatter [tilespmem:s3], [sflag:$0xE], $0x3600, s28, s26, $0x38;
	[tilespmem:$0x1E600] =	vst v63  }
0x166: {  	s4 =	simm.s32 @!p0 $0xC  }
0x167: {  	_ =	swait.ge @!p0 [sflag:s4], $0x3600  }
0x168: {  	s12 =	simm.s32 @!p0 $0x400;
	s13 =	simm.s32 @!p0 $0xD800;
	[sflag:s4] =	ssyncset.done @!p0 $0x0  }
0x169: {  	s10 =	simm.s32 @!p0 $0x80;
	[sflag:s4] =	ssyncadd.s32 @!p0 $0xFFFFCA00;
	s4 =	sadd.s32 @!p0 s7, s21  }
0x16a: {  	[tilespmem:s13], [sflag:$0x4] =	stream.strided.gather @!p0 [hbm4b:s4+s10], $0x3600, s12, s10, $0x38;
	[tilespmem:$0x1E600] =	vst v63  }
0x16b: {  	_ =	swait.ge [sflag:s25], $0x3600  }
0x16c: {  	[sflag:s25] =	ssyncset.done $0x0  }
0x16d: {  	s4 =	simm.s32 $0x17A40;
	[sflag:s25] =	ssyncadd.s32 $0xFFFFCA00  }
0x16e: {  	s10 =	simm.s32 $0x40;
	v1 =	vld [tilespmem:s4+$0x30]  }
0x16f: {  	v2 =	vld [tilespmem:s10+$0x30]  }
0x170: {  	v0 =	vld [tilespmem:s10+$0xFFFFFFC0]  }
0x171: {  	v3 =	vld [tilespmem:s4+$0xFFFFFFD0]  }
0x172: {  	v4 =	vld [tilespmem:s10+$0xFFFFFFD0]  }
0x173: {  	v5 =	vld [tilespmem:s4+$0xFFFFFFE0]  }
0x174: {  	v6 =	vld [tilespmem:s10+$0xFFFFFFE0]  }
0x175: {  	v7 =	vld [tilespmem:s4+$0xFFFFFFF0]  }
0x176: {  	v8 =	vld [tilespmem:s10+$0xFFFFFFF0]  }
0x177: {  	v9 =	vld [tilespmem:s4+$0x0]  }
0x178: {  	v10 =	vld [tilespmem:s10+$0x0];
	v2 =	vadd.f32 v2, v1  }
0x179: {  	v4 =	vadd.f32 v4, v3;
	v1 =	vld [tilespmem:s4+$0x10]  }
0x17a: {  	v5 =	vadd.f32 v6, v5;
	v3 =	vld [tilespmem:s10+$0x10];
	[tilespmem:s4+$0x30] =	vst v2  }
0x17b: {  	v6 =	vadd.f32 v8, v7;
	[tilespmem:s4+$0xFFFFFFD0] =	vst v4;
	v2 =	vld [tilespmem:s4+$0x20]  }
0x17c: {  	[tilespmem:s4+$0xFFFFFFE0] =	vst v5;
	v5 =	vld [tilespmem:s10+$0x20]  }
0x17d: {  	s12 =	simm.s32 $0x0;
	s13 =	simm.s32 $0x17AC0;
	v4 =	vld [tilespmem:s4+$0xFFFFFFC0];
	[tilespmem:s4+$0xFFFFFFF0] =	vst v6;
	v6 =	vadd.f32 v10, v9  }
.LBB2_15:
0x17e: {  	v7 =	vld [tilespmem:s13+$0x30];
	s10 =	sadd.s32 $0x80, s10  }
0x17f: {  	s12 =	sadd.s32 $0x8, s12;
	v8 =	vld [tilespmem:s10+$0x30];
	[tilespmem:s4+$0x0] =	vst v6;
	v1 =	vadd.f32 v3, v1  }
0x180: {  	p1 =	slt.u32 s12, $0x358;
	v3 =	vld [tilespmem:s10+$0xFFFFFFC0]  }
0x181: {  	v6 =	vld [tilespmem:s13+$0xFFFFFFD0];
	[tilespmem:s4+$0x10] =	vst v1;
	v1 =	vadd.f32 v5, v2  }
0x182: {  	v2 =	vld [tilespmem:s10+$0xFFFFFFD0];
	v9 =	vadd.f32 v0, v4  }
0x183: {  	v4 =	vld [tilespmem:s13+$0xFFFFFFE0];
	[tilespmem:s4+$0x20] =	vst v1  }
0x184: {  	v1 =	vld [tilespmem:s10+$0xFFFFFFE0];
	v5 =	vadd.f32 v8, v7;
	[tilespmem:s4+$0xFFFFFFC0] =	vst v9;
	s4 =	smov.u32 s13  }
0x185: {  	v7 =	vld [tilespmem:s13+$0xFFFFFFF0];
	v0 =	vmov v3  }
0x186: {  	v8 =	vld [tilespmem:s10+$0xFFFFFFF0];
	[tilespmem:s13+$0x30] =	vst v5  }
0x187: {  	v2 =	vadd.f32 v2, v6;
	v6 =	vld [tilespmem:s13+$0x0]  }
0x188: {  	v9 =	vld [tilespmem:s10+$0x0]  }
.Ltmp8:
0x189: {  	[tilespmem:s13+$0xFFFFFFD0] =	vst v2;
	v2 =	vadd.f32 v1, v4;
	v1 =	vld [tilespmem:s13+$0x10];
	(pc) =	sbr.rel @p1 .LBB2_15-.Ltmp8, $4  }
0x18a: {  	v3 =	vld [tilespmem:s10+$0x10]  }
0x18b: {  	[tilespmem:s13+$0xFFFFFFE0] =	vst v2;
	v7 =	vadd.f32 v8, v7;
	v2 =	vld [tilespmem:s13+$0x20]  }
0x18c: {  	v5 =	vld [tilespmem:s10+$0x20]  }
0x18d: {  	s13 =	sadd.s32 $0x80, s13;
	v4 =	vld [tilespmem:s4+$0xFFFFFFC0];
	[tilespmem:s4+$0xFFFFFFF0] =	vst v7;
	v6 =	vadd.f32 v9, v6  }
0x18e: {  	_ =	sdelay $0x1  }
0x18f: {  	v1 =	vadd.f32 v3, v1  }
0x190: {  	[tilespmem:s4+$0x0] =	vst v6;
	v2 =	vadd.f32 v5, v2  }
0x191: {  	[tilespmem:s4+$0x10] =	vst v1;
	v0 =	vadd.f32 v0, v4  }
0x192: {  	[tilespmem:s4+$0x20] =	vst v2  }
0x193: {  	s18 =	sadd.s32 s5, s16;
	[tilespmem:s4+$0xFFFFFFC0] =	vst v0;
	s4 =	simm.s32 @!p0 $0xD  }
0x194: {  	[hbm4b:s18+s26] =	stream.strided.scatter [tilespmem:s8], [sflag:$0xF], $0x3600, s28, s26, $0x38;
	[tilespmem:$0x1E600] =	vst v63  }
0x195: {  	_ =	swait.ge @!p0 [sflag:s4], $0x3600  }
0x196: {  	s10 =	simm.s32 @!p0 $0x400;
	s12 =	simm.s32 @!p0 $0x10E00;
	[sflag:s4] =	ssyncset.done @!p0 $0x0  }
0x197: {  	[sflag:s4] =	ssyncadd.s32 @!p0 $0xFFFFCA00;
	s4 =	sadd.s32 @!p0 s7, s22;
	s7 =	simm.s32 @!p0 $0x80  }
0x198: {  	[tilespmem:s12], [sflag:$0x5] =	stream.strided.gather @!p0 [hbm4b:s4+s7], $0x3600, s10, s7, $0x38;
	[tilespmem:$0x1E600] =	vst v63  }
0x199: {  	_ =	swait.ge [sflag:s29], $0x3600  }
0x19a: {  	[sflag:s29] =	ssyncset.done $0x0  }
0x19b: {  	s4 =	simm.s32 $0x1B040;
	[sflag:s29] =	ssyncadd.s32 $0xFFFFCA00  }
0x19c: {  	s7 =	simm.s32 $0x40;
	v1 =	vld [tilespmem:s4+$0x30]  }
0x19d: {  	v2 =	vld [tilespmem:s7+$0x30]  }
0x19e: {  	v0 =	vld [tilespmem:s7+$0xFFFFFFC0]  }
0x19f: {  	v3 =	vld [tilespmem:s4+$0xFFFFFFD0]  }
0x1a0: {  	v4 =	vld [tilespmem:s7+$0xFFFFFFD0]  }
0x1a1: {  	v5 =	vld [tilespmem:s4+$0xFFFFFFE0]  }
0x1a2: {  	v6 =	vld [tilespmem:s7+$0xFFFFFFE0]  }
0x1a3: {  	v7 =	vld [tilespmem:s4+$0xFFFFFFF0]  }
0x1a4: {  	v8 =	vld [tilespmem:s7+$0xFFFFFFF0]  }
0x1a5: {  	v9 =	vld [tilespmem:s4+$0x0]  }
0x1a6: {  	v10 =	vld [tilespmem:s7+$0x0];
	v2 =	vadd.f32 v2, v1  }
0x1a7: {  	v4 =	vadd.f32 v4, v3;
	v1 =	vld [tilespmem:s4+$0x10]  }
0x1a8: {  	v5 =	vadd.f32 v6, v5;
	v3 =	vld [tilespmem:s7+$0x10];
	[tilespmem:s4+$0x30] =	vst v2  }
0x1a9: {  	v6 =	vadd.f32 v8, v7;
	[tilespmem:s4+$0xFFFFFFD0] =	vst v4;
	v2 =	vld [tilespmem:s4+$0x20]  }
0x1aa: {  	[tilespmem:s4+$0xFFFFFFE0] =	vst v5;
	v5 =	vld [tilespmem:s7+$0x20]  }
0x1ab: {  	s10 =	simm.s32 $0x0;
	s12 =	simm.s32 $0x1B0C0;
	v4 =	vld [tilespmem:s4+$0xFFFFFFC0];
	[tilespmem:s4+$0xFFFFFFF0] =	vst v6;
	v6 =	vadd.f32 v10, v9  }
.LBB2_17:
0x1ac: {  	v7 =	vld [tilespmem:s12+$0x30];
	s7 =	sadd.s32 $0x80, s7  }
0x1ad: {  	s10 =	sadd.s32 $0x8, s10;
	v8 =	vld [tilespmem:s7+$0x30];
	[tilespmem:s4+$0x0] =	vst v6;
	v1 =	vadd.f32 v3, v1  }
0x1ae: {  	p1 =	slt.u32 s10, $0x358;
	v3 =	vld [tilespmem:s7+$0xFFFFFFC0]  }
0x1af: {  	v6 =	vld [tilespmem:s12+$0xFFFFFFD0];
	[tilespmem:s4+$0x10] =	vst v1;
	v1 =	vadd.f32 v5, v2  }
0x1b0: {  	v2 =	vld [tilespmem:s7+$0xFFFFFFD0];
	v9 =	vadd.f32 v0, v4  }
0x1b1: {  	v4 =	vld [tilespmem:s12+$0xFFFFFFE0];
	[tilespmem:s4+$0x20] =	vst v1  }
0x1b2: {  	v1 =	vld [tilespmem:s7+$0xFFFFFFE0];
	v5 =	vadd.f32 v8, v7;
	[tilespmem:s4+$0xFFFFFFC0] =	vst v9;
	s4 =	smov.u32 s12  }
0x1b3: {  	v7 =	vld [tilespmem:s12+$0xFFFFFFF0];
	v0 =	vmov v3  }
0x1b4: {  	v8 =	vld [tilespmem:s7+$0xFFFFFFF0];
	[tilespmem:s12+$0x30] =	vst v5  }
0x1b5: {  	v2 =	vadd.f32 v2, v6;
	v6 =	vld [tilespmem:s12+$0x0]  }
0x1b6: {  	v9 =	vld [tilespmem:s7+$0x0]  }
.Ltmp9:
0x1b7: {  	[tilespmem:s12+$0xFFFFFFD0] =	vst v2;
	v2 =	vadd.f32 v1, v4;
	v1 =	vld [tilespmem:s12+$0x10];
	(pc) =	sbr.rel @p1 .LBB2_17-.Ltmp9, $4  }
0x1b8: {  	v3 =	vld [tilespmem:s7+$0x10]  }
0x1b9: {  	[tilespmem:s12+$0xFFFFFFE0] =	vst v2;
	v7 =	vadd.f32 v8, v7;
	v2 =	vld [tilespmem:s12+$0x20]  }
0x1ba: {  	v5 =	vld [tilespmem:s7+$0x20]  }
0x1bb: {  	s12 =	sadd.s32 $0x80, s12;
	v4 =	vld [tilespmem:s4+$0xFFFFFFC0];
	[tilespmem:s4+$0xFFFFFFF0] =	vst v7;
	v6 =	vadd.f32 v9, v6  }
0x1bc: {  	_ =	sdelay $0x1  }
0x1bd: {  	v1 =	vadd.f32 v3, v1  }
.Ltmp10:
0x1be: {  	[tilespmem:s4+$0x0] =	vst v6;
	v2 =	vadd.f32 v5, v2;
	(pc) =	sbr.rel @p0 .LBB2_20-.Ltmp10, $4  }
0x1bf: {  	[tilespmem:s4+$0x10] =	vst v1;
	v0 =	vadd.f32 v0, v4  }
0x1c0: {  	[tilespmem:s4+$0x20] =	vst v2  }
0x1c1: {  	s0 =	sadd.s32 s5, s0;
	[tilespmem:s4+$0xFFFFFFC0] =	vst v0  }
0x1c2: {  	[hbm4b:s0+s26] =	stream.strided.scatter [tilespmem:s11], [sflag:$0x10], $0x3600, s28, s26, $0x38;
	[tilespmem:$0x1E600] =	vst v63  }
.Ltmp11:
0x1c3: {  	(pc) =	sbr.rel .LBB2_2-.Ltmp11, $4  }
0x1c4: {  	_ =	swait.ge [sflag:s30], $0x3600;
	s0 =	sadd.s32 s1, s20  }
0x1c5: {  	[sflag:s30] =	ssyncset.done $0x0;
	s0 =	sshrl.u32 s0, $0x3;
	s18 =	rddreg [dreg:$0xb]  }
0x1c6: {  	s31 =	sadd.s32 $0x1, s31;
	[sflag:s30] =	ssyncadd.s32 $0xFFFFCA00;
	s0 =	sadd.s32 s0, s18  }
0x1c7: {  	[tilespmem:s3], [sflag:$0x6] =	stream.strided.gather [hbm4b:s0+s26], $0x3600, s28, s26, $0x38;
	[tilespmem:$0x1E600] =	vst v63  }
.LBB2_21:
0x1c8: {  	_ =	sfence.sel $0x180000  }
0x1c9: {  	[bflag:$0x0] =	sbarrier.arrive $0xFFFF  }
0x1ca: {  	_ =	strace $0x9000004A  }
0x1cb: {  	s0 =	stileid.u32;
	[bflag:$0x2] =	sbarrier.arrive $0xFFFF  }
0x1cc: {  	p0 =	sne.s32 s0, $0x0;
	s0 =	rddreg [dreg:$0x2]  }
0x1cd: {  	s0 =	sadd.s32 @!p0 $0x100000, s0  }
0x1ce: {  	[sflag:s0] =	ssyncadd.tile.s32 @!p0 $0x1;
	_ =	shalt  }
.Lfunc_end2:
_tile_overlayer_lowered:
.L_overlay_start_2:
0x1cf: {  	(tag) =	ssettag $0x2  }
0x1d0: {  	s0 =	rddreg [dreg:$0x0];
	s2 =	stileid.u32  }
0x1d1: {  	s1 =	rddreg [dreg:$0x1];
	p0 =	sne.s32 s2, $0x0  }
0x1d2: {  	s3 =	rddreg [dreg:$0x2];
	[bflag:$0x3] =	sbarrier.arrive $0xFFFF;
	s2 =	simm.s32 @!p0 $0x1C11  }
0x1d3: {  	[timem:s3], [sflag:s2] =	dma.local @!p0 [hbm:s0], s1  }
0x1d4: {  	s0 =	simm.s32 @!p0 $0x11  }
0x1d5: {  	_ =	swait.ge @!p0 [sflag:s0], s1  }
0x1d6: {  	s1 =	ssub.s32 @!p0 $0x0, s1;
	[sflag:s0] =	ssyncset.done @!p0 $0x0  }
0x1d7: {  	[sflag:s0] =	ssyncadd.s32 @!p0 s1  }
0x1d8: {  	[bflag:$0x3] =	sbarrier.arrive $0xFFFF  }
0x1d9: {  	_ =	shalt  }

// kernel: sparse-core-data-format-call.1.cloned.1.call-start
scs
called_computation.1_lowered:
.L_overlay_start_0:
0x0: {  	s2 =	sld [smem:$0x3FD9]  }
0x1: {  	s3 =	sld [smem:$0x3FFE];
	_ =	sdelay $0x1  }
0x2: {  	s1 =	srdreg.scid  }
0x3: {  	s0 =	sand.u32 $0x1, s1  }
0x4: {  	s19 =	sshll.u32 s0, $0xA;
	s2 =	sadd.s32 s3, s2  }
0x5: {  	s2 =	sadd.s32 s2, s19  }
0x6: {  	[smem:$0x3FC6] =	sst s2  }
0x7: {  	_ = 	snop  }
0x8: {  	s2 =	sld [smem:$0x3FC9]  }
0x9: {  	s20 =	sld [smem:$0x3FD0];
	(tm) =	ssettm $0x1  }
0xa: {  	s4 =	sld [smem:$0x3FFB];
	_ =	sdelay $0x3  }
0xb: {  	_ =	strace s4  }
0xc: {  	s4 =	sld [smem:$0x3FFC];
	_ =	sdelay $0x3  }
0xd: {  	_ =	strace s4  }
0xe: {  	s4 =	sld [smem:$0x3FFD];
	_ =	sdelay $0x3  }
0xf: {  	_ =	strace s4  }
0x10: {  	_ =	strace $0x8FFFFFFF  }
0x11: {  	s21 =	sld [smem:$0x3FDB];
	_ =	sdelay $0x1  }
0x12: {  	s5 =	simm.s32 $_scs_section_size  }
0x13: {  	s6 =	simm.s32 $_size__tile_overlayer_lowered;
	s7 =	simm.s32 $_tile_overlayer_lowered  }
0x14: {  	s24 =	simm.s32 $0x1BFF;
	s23 =	sshll.u32 s7, $0x1;
	s4 =	sadd.s32 s5, s21  }
0x15: {  	s8 =	simm.s32 $0x0;
	s22 =	sshll.u32 s6, $0x1;
	s6 =	sadd.s32 s23, s4  }
0x16: {  	[timem:s8], [sflag:s24] =	dma.local [hbm:s6], s22  }
0x17: {  	_ =	swait.ge [sflag:s24], s22  }
0x18: {  	s5 =	ssub.s32 $0x0, s22;
	[sflag:s24] =	ssyncset.done $0x0  }
0x19: {  	[sflag:s24] =	ssyncadd.s32 s5;
	_ =	sdelay $0x1  }
0x1a: {  	s25 =	simm.s32 $0x1B8B  }
0x1b: {  	_ =	swait.ge [sflag:s25], $0x1  }
0x1c: {  	[sflag:s25] =	ssyncset.done $0x0  }
0x1d: {  	s26 =	simm.s32 $0x1B8E;
	[sflag:s25] =	ssyncadd.s32 $0xFFFFFFFF  }
0x1e: {  	s27 =	simm.s32 $execute0_lowered;
	[smem:$0x3FD2] =	sst s26  }
0x1f: {  	s5 =	sshll.u32 s27, $0x1;
	_ =	strace $0x80000046;
	[dreg:$0x1] =	wrdreg $0xFFFFFFFF  }
0x20: {  	s28 =	simm.s32 $_size_execute0_lowered;
	s4 =	sadd.s32 s4, s5;
	[dreg:$0x0] =	wrdreg $0x0  }
0x21: {  	s5 =	sshll.u32 s28, $0x1;
	[dreg:$0x2] =	wrdreg s4  }
0x22: {  	[dreg:$0x3] =	wrdreg s5  }
0x23: {  	[dreg:$0x4] =	wrdreg $0xC0  }
0x24: {  	_ =	task [dreg:s8], $0x5FFFF  }
0x25: {  	[dreg:$0x1] =	wrdreg $0xFFFFFFFF  }
0x26: {  	[dreg:$0x0] =	wrdreg $0x60  }
0x27: {  	[dreg:$0x2] =	wrdreg s2  }
0x28: {  	[dreg:$0x3] =	wrdreg s20  }
0x29: {  	[dreg:$0x4] =	wrdreg $0x9  }
0x2a: {  	_ =	task.clear_ibuf [dreg:s8], $0x5FFFF;
	_ =	strace $0x90000046  }
0x2b: {  	s29 =	simm.s32 $0x9;
	_ =	strace $0x80000048  }
0x2c: {  	_ =	swait.ge [sflag:s29], $0x1  }
0x2d: {  	[sflag:s29] =	ssyncadd.s32 $0xFFFFFFFF  }
0x2e: {  	_ =	strace $0x90000048  }
0x2f: {  	_ =	sfence  }
0x30: {  	s30 =	sld [smem:$0x0];
	_ =	sdelay $0x2  }
0x31: {  	s31 =	sshll.u32 s1, $0xD;
	s1 =	sshrl.u32 s1, $0x2  }
0x32: {  	s3 =	sand.u32 $0x4000, s31;
	s1 =	sadd.s32 s1, s30  }
0x33: {  	s0 =	sor.u32 s3, s0;
	s1 =	sshll.u32 s1, $0x11  }
0x34: {  	s0 =	sor.u32 s1, s0  }
0x35: {  	s0 =	sadd.s32 $0x8F2B, s0  }
0x36: {  	[sflag:s0] =	ssyncadd.remote.s32 $0x1  }
0x37: {  	_ =	sfence.sel $0xFFFF  }
0x38: {  	[dreg:$0x0] =	wrdreg $0xFFFFFFFF;
	(pc) =	sbr.abs _section_cstart, $3  }
0x39: {  	[dreg:$0x1] =	wrdreg $0xFFFFFFFF  }
0x3a: {  	_ =	task.clear_ibuf [dreg:s8], $0x2FFFF;
	_ =	strace $0x9FFFFFFF  }
0x3b: {  	(tm) =	ssettm $0x7FFFFFFF  }
tec
execute0_lowered:
.L_overlay_start_1:
0x0: {  	(tag) =	ssettag $0x1  }
0x1: {  	s0 =	srdreg.scid;
	s3 =	rddreg [dreg:$0x0]  }
0x2: {  	s7 =	stileid.u32;
	s4 =	rddreg [dreg:$0x1];
	s0 =	sshll.u32 s0, $0x4  }
0x3: {  	_ =	strace $0x80000047;
	s5 =	simm.s32 $0x1;
	s0 =	sor.u32 s7, s0  }
0x4: {  	s31 =	simm.s32 $0x2;
	s17 =	simm.s32 $0x0;
	s2 =	sand.u32 $0x18, s0  }
0x5: {  	s9 =	simm.s32 $0x1800;
	s10 =	simm.s32 $0x0;
	s0 =	ssub.s32 $0x240, s2  }
0x6: {  	s16 =	simm.s32 $0x0;
	s19 =	simm.s32 $0x0;
	s1 =	sand.u32 $0x18, s0  }
0x7: {  	s18 =	simm.s32 $0x0;
	p0 =	sne.s32 s1, $0x0;
	s1 =	simm.s32 $0x1  }
.Ltmp0:
0x8: {  	s0 =	sshrl.u32 s0, $0x5;
	s1 =	simm.s32 @!p0 $0x0;
	(pc) =	sbr.rel .LBB1_1-.Ltmp0, $4  }
0x9: {  	s11 =	simm.s32 $0x0;
	s13 =	simm.s32 $0x0;
	s0 =	sadd.s32 s1, s0  }
0xa: {  	s15 =	simm.s32 $0x0;
	[sflag:s5] =	ssyncpa.u1 $0x0;
	s6 =	smul.u32 $0x3, s0  }
0xb: {  	s25 =	simm.s32 $0x0;
	s7 =	sand.u32 $0x7, s7;
	[sflag:s31] =	ssyncpa.u1 $0x0  }
0xc: {  	s14 =	smov.u32 s7;
	s12 =	smov.u32 s2;
	s8 =	sadd.s32 $0x1, s6  }
.LBB1_7:
0xd: {  	s0 =	sadd.s32 $0x100, s11  }
0xe: {  	s1 =	sadd.s32 $0x20, s12;
	s20 =	smov.u32 s12;
	p1 =	sgt.s32 s0, $0x2FF  }
0xf: {  	s20 =	smov.u32 @p1 s1  }
0x10: {  	s21 =	smov.u32 s13;
	s1 =	sadd.s32 $0x8, s13;
	p2 =	sgt.s32 s20, $0x23F  }
0x11: {  	s21 =	smov.u32 @p2 s1  }
0x12: {  	s22 =	smov.u32 s14;
	s1 =	sadd.s32 $0x8, s14;
	p3 =	sgt.s32 s21, $0x7  }
0x13: {  	p0 =	slt.u32 s15, $0x2;
	s22 =	smov.u32 @p3 s1  }
0x14: {  	s17 =	smov.u32 s11;
	s0 =	simm.s32 @p1 $0x0;
	p1 =	sgt.s32 s22, $0x7  }
0x15: {  	s16 =	smov.u32 s12;
	s22 =	smov.u32 @p1 s7;
	p1 =	sne.s32 s15, s8  }
.Ltmp1:
0x16: {  	s19 =	smov.u32 s13;
	s18 =	smov.u32 s14;
	(pc) =	sbr.rel @!p1 .LBB1_8-.Ltmp1, $4  }
0x17: {  	s10 =	sadd.s32 $0x4000, s10;
	s11 =	smov.u32 s0;
	s1 =	simm.s32 @!p0 $0x2  }
0x18: {  	s20 =	smov.u32 @p2 s2;
	s21 =	simm.s32 @p3 $0x0;
	_ =	swait.ge @!p0 [sflag:s1], $0x4000  }
0x19: {  	s12 =	smov.u32 s20;
	s13 =	smov.u32 s21;
	[sflag:s1] =	ssyncset.done @!p0 $0x0  }
0x1a: {  	s15 =	sadd.s32 $0x1, s15;
	[sflag:s1] =	ssyncadd.s32 @!p0 $0xFFFFC000;
	s14 =	smov.u32 s22  }
.LBB1_1:
0x1b: {  	p0 =	sge.u32 s15, s6  }
0x1c: {  	s0 =	sshrl.u32 @!p0 s12, $0x3  }
0x1d: {  	s1 =	sshll.u32 @!p0 s11, $0x3;
	s0 =	smul.u32 @!p0 $0x1800, s0  }
0x1e: {  	s20 =	sshll.u32 @!p0 s12, $0x7;
	s1 =	sand.u32 @!p0 $0xFFFFFC00, s1  }
0x1f: {  	s0 =	sadd.s32 @!p0 s0, s1;
	s1 =	sand.u32 @!p0 $0x380, s20  }
0x20: {  	s20 =	sand.u32 @!p0 $0x7F, s11;
	s0 =	sor.u32 @!p0 s1, s0  }
0x21: {  	s1 =	sor.u32 @!p0 s20, s0;
	s0 =	smulhi.u32 @!p0 $0xAAAAAAAB, s0;
	_ =	sdelay $0x1  }
0x22: {  	s20 =	smulhi.u32 @!p0 $0xAAAAAAAB, s1;
	s0 =	sshrl.u32 @!p0 s0, $0x9  }
0x23: {  	s21 =	smulhi.u32 @!p0 $0x71C71D, s0  }
0x24: {  	s23 =	smul.u32 @!p0 $0x6C000, s14  }
0x25: {  	s20 =	sshrl.u32 @!p0 s20, $0x9;
	s21 =	smul.u32 @!p0 $0x240, s21  }
0x26: {  	s31 =	sadd.s32 $0xFFFFFFFF, s15;
	s22 =	sxor.u32 @!p0 $0xFFFFFFFF, s15;
	s20 =	smul.u32 @!p0 $0x300, s20  }
0x27: {  	s22 =	sshll.u32 @!p0 s22, $0xE;
	s0 =	ssub.s32 @!p0 s0, s21;
	s21 =	smul.u32 @!p0 $0xD800, s13  }
0x28: {  	s1 =	ssub.s32 @!p0 s1, s20;
	s20 =	sadd.s32 @!p0 s3, s23;
	s0 =	smul.u32 @!p0 $0x60, s0  }
0x29: {  	s22 =	sand.u32 @!p0 $0x4000, s22;
	s20 =	sadd.s32 @!p0 s21, s20;
	s21 =	sand.u32 @!p0 $0x7, s1  }
0x2a: {  	s1 =	sshrl.u32 @!p0 s1, $0x3;
	s0 =	sadd.s32 @!p0 s0, s20;
	s20 =	sshll.u32 @!p0 s21, $0x12  }
0x2b: {  	s0 =	sadd.s32 @!p0 s1, s0;
	s1 =	sor.u32 @!p0 $0x800, s20;
	s20 =	simm.s32 @!p0 $0x6C000  }
0x2c: {  	[tilespmem:s22], [sflag:$0x1] =	stream.strided.gather @!p0 [hbm4b:s0+s1], $0x4000, s20, s1, $0x38;
	[tilespmem:$0x10000] =	vst v63  }
0x2d: {  	p0 =	sge.u32 s31, s6  }
.Ltmp2:
0x2e: {  	_ = 	snop;
	(pc) =	sbr.rel @p0 .LBB1_7-.Ltmp2, $1  }
0x2f: {  	_ =	sdelay $0x3  }
0x30: {  	s0 =	sshll.u32 s10, $0x2;
	_ =	swait.ge [sflag:s5], $0x4000;
	s1 =	sshll.u32 s15, $0xE  }
0x31: {  	p0 =	por $0x0, $0x0;
	s26 =	simm.s32 $0x0;
	s27 =	simm.s32 $0x0  }
0x32: {  	s0 =	sand.u32 $0x10000, s0;
	[sflag:s5] =	ssyncset.done $0x0;
	s23 =	sand.u32 $0x4000, s1  }
0x33: {  	s0 =	sshrl.u32 s0, $0x2;
	[sflag:s5] =	ssyncadd.s32 $0xFFFFC000;
	s20 =	sor.u32 $0x8000, s23  }
0x34: {  	s21 =	sor.u32 $0x40, s0;
	s22 =	sor.u32 $0x8410, s0;
	s24 =	sadd.s32 $0x8400, s0  }
.LBB1_3:
0x35: {  	v1 =	vld [tilespmem:s21+$0xFFFFFFD0]  }
0x36: {  	v2 =	vld [tilespmem:s21+$0x430]  }
0x37: {  	s0 =	sshll.u32 s27, $0xB;
	v4 =	vld [tilespmem:s21+$0xFFFFFFE0]  }
0x38: {  	v7 =	vld [tilespmem:s21+$0xFFFFFFF0];
	v0 =	vmov s0  }
0x39: {  	v8 =	vld [tilespmem:s21+$0x0]  }
0x3a: {  	v9 =	vld [tilespmem:s21+$0x10];
	s0 =	sand.u32 $0x300, s25  }
0x3b: {  	s1 =	sand.u32 $0x80, s25;
	v10 =	vld [tilespmem:s21+$0x20];
	s0 =	sadd.s32 s0, s23  }
0x3c: {  	v11 =	vld [tilespmem:s21+$0x30];
	s0 =	sadd.s32 s1, s0;
	s1 =	simm.s32 $0x1;
	[tilespmem:s22+$0x60] =	vst v2  }
0x3d: {  	s1 =	simm.s32 @!p0 $0x0;
	[tilespmem:s22+$0xFFFFFC00] =	vst v1;
	v3 =	vld.idx.msk [tilespmem:v0+s0+$0x400 ss:$0x1], $0xffff;
	s0 =	sshll.u32 s26, $0x2  }
0x3e: {  	v6 =	vld [tilespmem:s21+$0x3D0];
	s1 =	sshll.u32 s1, $0x9;
	[tilespmem:s22+$0xFFFFFC10] =	vst v4;
	s0 =	sand.u32 $0xFFFFFC00, s0  }
0x3f: {  	v5 =	vld [tilespmem:s21+$0x3E0];
	[tilespmem:s22+$0xFFFFFC20] =	vst v7;
	s0 =	sor.u32 s1, s0  }
0x40: {  	[tilespmem:s22+$0xFFFFFC30] =	vst v8;
	v4 =	vld [tilespmem:s21+$0x400];
	s0 =	sshrl.u32 s0, $0x2  }
0x41: {  	[tilespmem:s22+$0xFFFFFC40] =	vst v9;
	v1 =	vld [tilespmem:s21+$0x410];
	s28 =	sadd.s32 s0, s24  }
0x42: {  	[tilespmem:s28+$0x0] =	vst v3;
	v3 =	vld [tilespmem:s21+$0x3F0]  }
0x43: {  	s31 =	simm.s32 $0x100;
	[tilespmem:s22+$0xFFFFFC50] =	vst v10;
	v2 =	vld [tilespmem:s21+$0x420];
	s1 =	simm.s32 $0x80  }
0x44: {  	s29 =	sadd.s32 $0x80, s21;
	s30 =	smov.u32 s22;
	v7 =	vld [tilespmem:s21+$0xFFFFFFC0];
	[tilespmem:s22+$0xFFFFFC60] =	vst v11;
	s0 =	sand.u32 $0x300, s1  }
.LBB1_4:
0x45: {  	p1 =	sne.s32 s31, $0x380;
	v8 =	vld [tilespmem:s29+$0xFFFFFFD0];
	s1 =	sand.u32 $0x80, s1;
	s0 =	sadd.s32 s0, s23;
	[tilespmem:s30+$0x0] =	vst v6  }
0x46: {  	s0 =	sadd.s32 s1, s0;
	v6 =	vld [tilespmem:s29+$0x430];
	[tilespmem:s30+$0x10] =	vst v5;
	s1 =	smov.u32 s31  }
0x47: {  	v5 =	vld.idx.msk [tilespmem:v0+s0+$0x400 ss:$0x1], $0xffff;
	[tilespmem:s30+$0x20] =	vst v3  }
0x48: {  	v3 =	vld [tilespmem:s29+$0xFFFFFFE0];
	[tilespmem:s30+$0x30] =	vst v4  }
0x49: {  	v4 =	vld [tilespmem:s29+$0xFFFFFFF0];
	[tilespmem:s30+$0xFFFFFBF0] =	vst v7  }
0x4a: {  	v7 =	vld [tilespmem:s29+$0x0];
	[tilespmem:s30+$0x40] =	vst v1  }
0x4b: {  	v1 =	vld [tilespmem:s29+$0x10];
	[tilespmem:s30+$0x50] =	vst v2;
	s30 =	sadd.s32 $0x800, s30  }
0x4c: {  	s28 =	sadd.s32 $0x800, s28;
	v2 =	vld [tilespmem:s29+$0x20];
	[tilespmem:s30+$0x60] =	vst v6  }
0x4d: {  	v9 =	vld [tilespmem:s29+$0x30];
	[tilespmem:s28+$0x0] =	vst v5  }
0x4e: {  	[tilespmem:s30+$0xFFFFFC00] =	vst v8;
	v6 =	vld [tilespmem:s29+$0x3D0]  }
0x4f: {  	[tilespmem:s30+$0xFFFFFC10] =	vst v3;
	v5 =	vld [tilespmem:s29+$0x3E0]  }
.Ltmp3:
0x50: {  	[tilespmem:s30+$0xFFFFFC20] =	vst v4;
	v3 =	vld [tilespmem:s29+$0x3F0];
	(pc) =	sbr.rel @p1 .LBB1_4-.Ltmp3, $4  }
0x51: {  	[tilespmem:s30+$0xFFFFFC30] =	vst v7;
	v4 =	vld [tilespmem:s29+$0x400]  }
0x52: {  	[tilespmem:s30+$0xFFFFFC40] =	vst v1;
	v1 =	vld [tilespmem:s29+$0x410]  }
0x53: {  	[tilespmem:s30+$0xFFFFFC50] =	vst v2;
	v2 =	vld [tilespmem:s29+$0x420]  }
0x54: {  	s31 =	sadd.s32 $0x80, s31;
	s0 =	sand.u32 $0x300, s1;
	v7 =	vld [tilespmem:s29+$0xFFFFFFC0];
	[tilespmem:s30+$0xFFFFFC60] =	vst v9;
	s29 =	sadd.s32 $0x80, s29  }
0x55: {  	[tilespmem:s30+$0x0] =	vst v6  }
0x56: {  	[tilespmem:s30+$0x10] =	vst v5  }
0x57: {  	v49 =	vld [tilespmem:s29+$0x430];
	[tilespmem:s30+$0x20] =	vst v3  }
0x58: {  	v50 =	vld [tilespmem:s29+$0xFFFFFFD0];
	[tilespmem:s30+$0x30] =	vst v4  }
0x59: {  	v51 =	vld [tilespmem:s29+$0xFFFFFFE0];
	[tilespmem:s30+$0x40] =	vst v1  }
0x5a: {  	v52 =	vld [tilespmem:s29+$0xFFFFFFF0];
	[tilespmem:s30+$0x50] =	vst v2  }
0x5b: {  	v53 =	vld [tilespmem:s29+$0x0];
	[tilespmem:s30+$0xFFFFFBF0] =	vst v7;
	s30 =	sadd.s32 $0x800, s30  }
0x5c: {  	v54 =	vld [tilespmem:s29+$0x10];
	[tilespmem:s30+$0x60] =	vst v49  }
0x5d: {  	v55 =	vld [tilespmem:s29+$0x20];
	[tilespmem:s30+$0xFFFFFC00] =	vst v50  }
0x5e: {  	v56 =	vld [tilespmem:s29+$0x30];
	[tilespmem:s30+$0xFFFFFC10] =	vst v51  }
0x5f: {  	v57 =	vld [tilespmem:s29+$0x3D0];
	[tilespmem:s30+$0xFFFFFC20] =	vst v52  }
0x60: {  	v58 =	vld [tilespmem:s29+$0x3E0];
	[tilespmem:s30+$0xFFFFFC30] =	vst v53  }
0x61: {  	v59 =	vld [tilespmem:s29+$0x3F0];
	[tilespmem:s30+$0xFFFFFC40] =	vst v54  }
0x62: {  	v60 =	vld [tilespmem:s29+$0x400];
	[tilespmem:s30+$0xFFFFFC50] =	vst v55  }
0x63: {  	v61 =	vld [tilespmem:s29+$0xFFFFFFC0];
	[tilespmem:s30+$0xFFFFFC60] =	vst v56  }
0x64: {  	s1 =	sand.u32 $0x80, s1;
	s0 =	sadd.s32 s0, s23;
	v62 =	vld [tilespmem:s29+$0x410];
	[tilespmem:s30+$0x0] =	vst v57  }
0x65: {  	v63 =	vld [tilespmem:s29+$0x420];
	s27 =	sadd.s32 $0x1, s27;
	s0 =	sadd.s32 s1, s0;
	[tilespmem:s30+$0x10] =	vst v58  }
0x66: {  	p1 =	sne.s32 s27, $0x8;
	v0 =	vld.idx.msk [tilespmem:v0+s0+$0x400 ss:$0x1], $0xffff;
	[tilespmem:s30+$0x20] =	vst v59  }
.Ltmp4:
0x67: {  	[tilespmem:s30+$0x30] =	vst v60;
	(pc) =	sbr.rel @p1 .LBB1_3-.Ltmp4, $4  }
0x68: {  	[tilespmem:s30+$0xFFFFFBF0] =	vst v61  }
0x69: {  	[tilespmem:s30+$0x40] =	vst v62  }
0x6a: {  	s31 =	sadd.s32 $0x800, s28;
	s21 =	sadd.s32 $0x800, s21;
	[tilespmem:s30+$0x50] =	vst v63  }
0x6b: {  	s26 =	sadd.s32 $0x80, s26;
	p0 =	por !p0, !p0;
	s22 =	sadd.s32 $0x80, s22;
	[tilespmem:s31+$0x0] =	vst v0  }
0x6c: {  	s0 =	sshrl.u32 s19, $0x3  }
0x6d: {  	s1 =	sshll.u32 s17, $0x3;
	s0 =	smul.u32 $0x1800, s0  }
0x6e: {  	s24 =	sshll.u32 s19, $0x7;
	s1 =	sand.u32 $0xFFFFFC00, s1  }
0x6f: {  	s26 =	sand.u32 $0x380, s24;
	s0 =	sadd.s32 s0, s1  }
0x70: {  	s27 =	sand.u32 $0x7F, s17;
	s0 =	sor.u32 s26, s0  }
0x71: {  	s1 =	sor.u32 s27, s0;
	s0 =	smulhi.u32 $0xAAAAAAAB, s0  }
0x72: {  	s17 =	smulhi.u32 $0xAAAAAAAB, s1  }
0x73: {  	s18 =	smul.u32 $0x6C000, s18  }
0x74: {  	s16 =	smul.u32 $0x300, s16;
	s0 =	sshrl.u32 s0, $0x9;
	s17 =	sshrl.u32 s17, $0x9  }
0x75: {  	s0 =	sand.u32 $0x7, s0;
	s17 =	smul.u32 $0x300, s17  }
0x76: {  	s0 =	smul.u32 $0x60, s0  }
.Ltmp5:
0x77: {  	s28 =	sadd.s32 s4, s18;
	s1 =	ssub.s32 s1, s17;
	(pc) =	sbr.rel .LBB1_7-.Ltmp5, $4  }
0x78: {  	s16 =	sadd.s32 s16, s28;
	s29 =	sand.u32 $0x7, s1  }
0x79: {  	s0 =	sadd.s32 s0, s16;
	s1 =	sshrl.u32 s1, $0x3;
	s30 =	sshll.u32 s29, $0x12  }
0x7a: {  	s0 =	sadd.s32 s1, s0;
	s31 =	sor.u32 $0x800, s30  }
0x7b: {  	[hbm4b:s0+s31] =	stream.strided.scatter [tilespmem:s20], [sflag:$0x2], $0x4000, s9, s31, $0x38;
	[tilespmem:$0x10000] =	vst v63  }
.LBB1_8:
0x7c: {  	_ =	sfence.sel $0x180000  }
0x7d: {  	s0 =	simm.s32 $0x1;
	[bflag:$0x0] =	sbarrier.arrive $0xFFFF  }
0x7e: {  	s30 =	simm.s32 $0x2;
	[sflag:s0] =	ssyncpa.u1 $0x1  }
0x7f: {  	[sflag:s30] =	ssyncpa.u1 $0x1  }
0x80: {  	_ =	strace $0x90000047  }
0x81: {  	s31 =	stileid.u32;
	[bflag:$0x2] =	sbarrier.arrive $0xFFFF  }
0x82: {  	p0 =	sne.s32 s31, $0x0;
	s0 =	rddreg [dreg:$0x2]  }
0x83: {  	s0 =	sadd.s32 @!p0 $0x100000, s0  }
0x84: {  	[sflag:s0] =	ssyncadd.tile.s32 @!p0 $0x1;
	_ =	shalt  }
.Lfunc_end1:
_tile_overlayer_lowered:
.L_overlay_start_2:
0x85: {  	(tag) =	ssettag $0x2  }
0x86: {  	s0 =	rddreg [dreg:$0x0];
	s2 =	stileid.u32  }
0x87: {  	s1 =	rddreg [dreg:$0x1];
	p0 =	sne.s32 s2, $0x0  }
0x88: {  	s3 =	rddreg [dreg:$0x2];
	[bflag:$0x3] =	sbarrier.arrive $0xFFFF;
	s2 =	simm.s32 @!p0 $0x1C01  }
0x89: {  	[timem:s3], [sflag:s2] =	dma.local @!p0 [hbm:s0], s1  }
0x8a: {  	s0 =	simm.s32 @!p0 $0x1  }
0x8b: {  	_ =	swait.ge @!p0 [sflag:s0], s1  }
0x8c: {  	s1 =	ssub.s32 @!p0 $0x0, s1;
	[sflag:s0] =	ssyncset.done @!p0 $0x0  }
0x8d: {  	[sflag:s0] =	ssyncadd.s32 @!p0 s1  }
0x8e: {  	[bflag:$0x3] =	sbarrier.arrive $0xFFFF  }
0x8f: {  	_ =	shalt  }

// kernel: sparse-core-data-format-call.cloned.1.call-start
scs
called_computation_lowered:
.L_overlay_start_0:
0x0: {  	s2 =	sld [smem:$0x3FD9]  }
0x1: {  	s3 =	sld [smem:$0x3FFE];
	_ =	sdelay $0x1  }
0x2: {  	s1 =	srdreg.scid  }
0x3: {  	s0 =	sand.u32 $0x1, s1  }
0x4: {  	s18 =	sshll.u32 s0, $0xA;
	s2 =	sadd.s32 s3, s2  }
0x5: {  	s2 =	sadd.s32 s2, s18  }
0x6: {  	[smem:$0x3FC6] =	sst s2  }
0x7: {  	_ = 	snop  }
0x8: {  	s2 =	sld [smem:$0x3FD0];
	(tm) =	ssettm $0x1  }
0x9: {  	s19 =	sld [smem:$0x3FFB];
	_ =	sdelay $0x3  }
0xa: {  	_ =	strace s19  }
0xb: {  	s3 =	sld [smem:$0x3FFC];
	_ =	sdelay $0x3  }
0xc: {  	_ =	strace s3  }
0xd: {  	s3 =	sld [smem:$0x3FFD];
	_ =	sdelay $0x3  }
0xe: {  	_ =	strace s3  }
0xf: {  	_ =	strace $0x8FFFFFFF  }
0x10: {  	s20 =	sld [smem:$0x3FDB];
	_ =	sdelay $0x1  }
0x11: {  	s4 =	simm.s32 $_scs_section_size  }
0x12: {  	s5 =	simm.s32 $_size__tile_overlayer_lowered;
	s6 =	simm.s32 $_tile_overlayer_lowered  }
0x13: {  	s23 =	simm.s32 $0x1BFF;
	s22 =	sshll.u32 s6, $0x1;
	s3 =	sadd.s32 s4, s20  }
0x14: {  	s7 =	simm.s32 $0x0;
	s21 =	sshll.u32 s5, $0x1;
	s5 =	sadd.s32 s22, s3  }
0x15: {  	[timem:s7], [sflag:s23] =	dma.local [hbm:s5], s21  }
0x16: {  	_ =	swait.ge [sflag:s23], s21  }
0x17: {  	s4 =	ssub.s32 $0x0, s21;
	[sflag:s23] =	ssyncset.done $0x0  }
0x18: {  	[sflag:s23] =	ssyncadd.s32 s4;
	_ =	sdelay $0x1  }
0x19: {  	s24 =	simm.s32 $0x1B8B  }
0x1a: {  	_ =	swait.ge [sflag:s24], $0x1  }
0x1b: {  	[sflag:s24] =	ssyncset.done $0x0  }
0x1c: {  	s26 =	simm.s32 $0x1B8E;
	s25 =	sld [smem:$0x3FFE];
	[sflag:s24] =	ssyncadd.s32 $0xFFFFFFFF  }
0x1d: {  	s27 =	simm.s32 $execute0_lowered;
	[smem:$0x3FD2] =	sst s26  }
0x1e: {  	s5 =	sshll.u32 s27, $0x1;
	_ =	strace $0x8000004C;
	[dreg:$0x1] =	wrdreg $0xFFFFFFFF  }
0x1f: {  	s28 =	simm.s32 $_size_execute0_lowered;
	s3 =	sadd.s32 s3, s5;
	[dreg:$0x0] =	wrdreg $0x0  }
0x20: {  	s5 =	sshll.u32 s28, $0x1;
	[dreg:$0x2] =	wrdreg s3  }
0x21: {  	[dreg:$0x3] =	wrdreg s5  }
0x22: {  	[dreg:$0x4] =	wrdreg $0xC0  }
0x23: {  	_ =	task [dreg:s7], $0x5FFFF  }
0x24: {  	[dreg:$0x1] =	wrdreg $0xFFFFFFFF  }
0x25: {  	[dreg:$0x0] =	wrdreg $0x60  }
0x26: {  	[dreg:$0x2] =	wrdreg s25  }
0x27: {  	[dreg:$0x3] =	wrdreg s2  }
0x28: {  	[dreg:$0x4] =	wrdreg $0x9  }
0x29: {  	_ =	task.clear_ibuf [dreg:s7], $0x5FFFF;
	_ =	strace $0x9000004C  }
0x2a: {  	s29 =	simm.s32 $0x9;
	_ =	strace $0x8000004E  }
0x2b: {  	_ =	swait.ge [sflag:s29], $0x1  }
0x2c: {  	[sflag:s29] =	ssyncadd.s32 $0xFFFFFFFF  }
0x2d: {  	_ =	strace $0x9000004E  }
0x2e: {  	_ =	sfence  }
0x2f: {  	s30 =	sld [smem:$0x0];
	_ =	sdelay $0x2  }
0x30: {  	s31 =	sshll.u32 s1, $0xD;
	s1 =	sshrl.u32 s1, $0x2  }
0x31: {  	s3 =	sand.u32 $0x4000, s31;
	s1 =	sadd.s32 s1, s30  }
0x32: {  	s0 =	sor.u32 s3, s0;
	s1 =	sshll.u32 s1, $0x11  }
0x33: {  	s0 =	sor.u32 s1, s0  }
0x34: {  	s0 =	sadd.s32 $0x8F2B, s0  }
0x35: {  	[sflag:s0] =	ssyncadd.remote.s32 $0x1  }
0x36: {  	_ =	sfence.sel $0xFFFF  }
0x37: {  	[dreg:$0x0] =	wrdreg $0xFFFFFFFF;
	(pc) =	sbr.abs _section_cstart, $3  }
0x38: {  	[dreg:$0x1] =	wrdreg $0xFFFFFFFF  }
0x39: {  	_ =	task.clear_ibuf [dreg:s7], $0x2FFFF;
	_ =	strace $0x9FFFFFFF  }
0x3a: {  	(tm) =	ssettm $0x7FFFFFFF  }
0x3b: {  	_ =	shalt  }
tec
execute0_lowered:
.L_overlay_start_1:
0x0: {  	(tag) =	ssettag $0x1  }
0x1: {  	s0 =	srdreg.scid  }
0x2: {  	s7 =	stileid.u32;
	s6 =	rddreg [dreg:$0x0]  }
0x3: {  	s3 =	rddreg [dreg:$0x1];
	_ =	strace $0x8000004D;
	s0 =	sshll.u32 s0, $0x4  }
0x4: {  	s4 =	simm.s32 $0x1;
	s31 =	simm.s32 $0x2;
	s0 =	sor.u32 s7, s0  }
0x5: {  	s18 =	simm.s32 $0x0;
	s9 =	simm.s32 $0x6C000;
	s2 =	sand.u32 $0x18, s0  }
0x6: {  	s10 =	simm.s32 $0x0;
	s16 =	simm.s32 $0x0;
	s0 =	ssub.s32 $0x240, s2  }
0x7: {  	s19 =	simm.s32 $0x0;
	s17 =	simm.s32 $0x0;
	s1 =	sand.u32 $0x18, s0  }
0x8: {  	s11 =	simm.s32 $0x0;
	p0 =	sne.s32 s1, $0x0;
	s1 =	simm.s32 $0x1  }
.Ltmp0:
0x9: {  	s0 =	sshrl.u32 s0, $0x5;
	s1 =	simm.s32 @!p0 $0x0;
	(pc) =	sbr.rel .LBB1_1-.Ltmp0, $4  }
0xa: {  	s12 =	simm.s32 $0x0;
	s15 =	simm.s32 $0x0;
	s0 =	sadd.s32 s1, s0  }
0xb: {  	s25 =	simm.s32 $0x0;
	[sflag:s4] =	ssyncpa.u1 $0x0;
	s5 =	smul.u32 $0x3, s0  }
0xc: {  	s6 =	sadd.s32 $0xE600, s6;
	s7 =	sand.u32 $0x7, s7;
	[sflag:s31] =	ssyncpa.u1 $0x0  }
0xd: {  	s14 =	smov.u32 s7;
	s13 =	smov.u32 s2;
	s8 =	sadd.s32 $0x1, s5  }
.LBB1_7:
0xe: {  	s0 =	sadd.s32 $0x100, s11  }
0xf: {  	s1 =	sadd.s32 $0x8, s12;
	s20 =	smov.u32 s12;
	p1 =	sgt.s32 s0, $0x2FF  }
0x10: {  	s20 =	smov.u32 @p1 s1  }
0x11: {  	s21 =	smov.u32 s13;
	s1 =	sadd.s32 $0x20, s13;
	p2 =	sgt.s32 s20, $0x7  }
0x12: {  	s21 =	smov.u32 @p2 s1  }
0x13: {  	s22 =	smov.u32 s14;
	s1 =	sadd.s32 $0x8, s14;
	p3 =	sgt.s32 s21, $0x23F  }
0x14: {  	p0 =	slt.u32 s15, $0x2;
	s22 =	smov.u32 @p3 s1  }
0x15: {  	s18 =	smov.u32 s11;
	s0 =	simm.s32 @p1 $0x0;
	p1 =	sgt.s32 s22, $0x7  }
0x16: {  	s16 =	smov.u32 s12;
	s22 =	smov.u32 @p1 s7;
	p1 =	sne.s32 s15, s8  }
.Ltmp1:
0x17: {  	s19 =	smov.u32 s13;
	s17 =	smov.u32 s14;
	(pc) =	sbr.rel @!p1 .LBB1_8-.Ltmp1, $4  }
0x18: {  	s10 =	sadd.s32 $0x4000, s10;
	s11 =	smov.u32 s0;
	s1 =	simm.s32 @!p0 $0x2  }
0x19: {  	s20 =	simm.s32 @p2 $0x0;
	s21 =	smov.u32 @p3 s2;
	_ =	swait.ge @!p0 [sflag:s1], $0x4000  }
0x1a: {  	s12 =	smov.u32 s20;
	s13 =	smov.u32 s21;
	[sflag:s1] =	ssyncset.done @!p0 $0x0  }
0x1b: {  	s15 =	sadd.s32 $0x1, s15;
	[sflag:s1] =	ssyncadd.s32 @!p0 $0xFFFFC000;
	s14 =	smov.u32 s22  }
.LBB1_1:
0x1c: {  	p0 =	sge.u32 s15, s5  }
0x1d: {  	s0 =	sshrl.u32 @!p0 s12, $0x3  }
0x1e: {  	s1 =	sshll.u32 @!p0 s11, $0x3;
	s0 =	smul.u32 @!p0 $0x1800, s0  }
0x1f: {  	s20 =	sshll.u32 @!p0 s12, $0x7;
	s1 =	sand.u32 @!p0 $0xFFFFFC00, s1  }
0x20: {  	s0 =	sadd.s32 @!p0 s0, s1;
	s1 =	sand.u32 @!p0 $0x380, s20  }
0x21: {  	s20 =	sand.u32 @!p0 $0x7F, s11;
	s0 =	sor.u32 @!p0 s1, s0  }
0x22: {  	s1 =	sor.u32 @!p0 s20, s0  }
0x23: {  	s20 =	smulhi.u32 @!p0 $0xAAAAAAAB, s1  }
0x24: {  	s0 =	smulhi.u32 @!p0 $0xAAAAAAAB, s0  }
0x25: {  	s31 =	sadd.s32 $0xFFFFFFFF, s15;
	s22 =	smul.u32 @!p0 $0x6C000, s14;
	s20 =	sshrl.u32 @!p0 s20, $0x9  }
0x26: {  	s21 =	sxor.u32 @!p0 $0xFFFFFFFF, s15;
	s0 =	sshrl.u32 @!p0 s0, $0x9;
	s20 =	smul.u32 @!p0 $0x300, s20  }
0x27: {  	s23 =	smul.u32 @!p0 $0x300, s13;
	s21 =	sshll.u32 @!p0 s21, $0xE;
	s0 =	sand.u32 @!p0 $0x7, s0  }
0x28: {  	s0 =	smul.u32 @!p0 $0x60, s0;
	s1 =	ssub.s32 @!p0 s1, s20;
	s20 =	sadd.s32 @!p0 s6, s22  }
0x29: {  	s21 =	sand.u32 @!p0 $0x4000, s21;
	s20 =	sadd.s32 @!p0 s23, s20;
	s22 =	sand.u32 @!p0 $0x7, s1  }
0x2a: {  	s1 =	sshrl.u32 @!p0 s1, $0x3;
	s0 =	sadd.s32 @!p0 s0, s20;
	s20 =	sshll.u32 @!p0 s22, $0x12  }
0x2b: {  	s0 =	sadd.s32 @!p0 s1, s0;
	s1 =	sor.u32 @!p0 $0x800, s20;
	s20 =	simm.s32 @!p0 $0x1800  }
0x2c: {  	[tilespmem:s21], [sflag:$0x1] =	stream.strided.gather @!p0 [hbm4b:s0+s1], $0x4000, s20, s1, $0x38;
	[tilespmem:$0x10000] =	vst v63  }
0x2d: {  	p0 =	sge.u32 s31, s5  }
.Ltmp2:
0x2e: {  	_ = 	snop;
	(pc) =	sbr.rel @p0 .LBB1_7-.Ltmp2, $1  }
0x2f: {  	_ =	sdelay $0x3  }
0x30: {  	s0 =	sshll.u32 s10, $0x2;
	_ =	swait.ge [sflag:s4], $0x4000;
	s1 =	sshll.u32 s15, $0xE  }
0x31: {  	p0 =	por $0x0, $0x0;
	s26 =	simm.s32 $0x0;
	s27 =	simm.s32 $0x0  }
0x32: {  	s0 =	sand.u32 $0x10000, s0;
	[sflag:s4] =	ssyncset.done $0x0;
	s23 =	sand.u32 $0x4000, s1  }
0x33: {  	s0 =	sshrl.u32 s0, $0x2;
	[sflag:s4] =	ssyncadd.s32 $0xFFFFC000;
	s20 =	sor.u32 $0x8000, s23  }
0x34: {  	s21 =	sor.u32 $0x40, s0;
	s22 =	sor.u32 $0x8410, s0;
	s24 =	sadd.s32 $0x8400, s0  }
.LBB1_3:
0x35: {  	v1 =	vld [tilespmem:s21+$0xFFFFFFD0]  }
0x36: {  	v2 =	vld [tilespmem:s21+$0x430]  }
0x37: {  	s0 =	sshll.u32 s27, $0xB;
	v4 =	vld [tilespmem:s21+$0xFFFFFFE0]  }
0x38: {  	v7 =	vld [tilespmem:s21+$0xFFFFFFF0];
	v0 =	vmov s0  }
0x39: {  	v8 =	vld [tilespmem:s21+$0x0]  }
0x3a: {  	v9 =	vld [tilespmem:s21+$0x10];
	s0 =	sand.u32 $0x300, s25  }
0x3b: {  	s1 =	sand.u32 $0x80, s25;
	v10 =	vld [tilespmem:s21+$0x20];
	s0 =	sadd.s32 s0, s23  }
0x3c: {  	v11 =	vld [tilespmem:s21+$0x30];
	s0 =	sadd.s32 s1, s0;
	s1 =	simm.s32 $0x1;
	[tilespmem:s22+$0x60] =	vst v2  }
0x3d: {  	s1 =	simm.s32 @!p0 $0x0;
	[tilespmem:s22+$0xFFFFFC00] =	vst v1;
	v3 =	vld.idx.msk [tilespmem:v0+s0+$0x400 ss:$0x1], $0xffff;
	s0 =	sshll.u32 s26, $0x2  }
0x3e: {  	v6 =	vld [tilespmem:s21+$0x3D0];
	s1 =	sshll.u32 s1, $0x9;
	[tilespmem:s22+$0xFFFFFC10] =	vst v4;
	s0 =	sand.u32 $0xFFFFFC00, s0  }
0x3f: {  	v5 =	vld [tilespmem:s21+$0x3E0];
	[tilespmem:s22+$0xFFFFFC20] =	vst v7;
	s0 =	sor.u32 s1, s0  }
0x40: {  	[tilespmem:s22+$0xFFFFFC30] =	vst v8;
	v4 =	vld [tilespmem:s21+$0x400];
	s0 =	sshrl.u32 s0, $0x2  }
0x41: {  	[tilespmem:s22+$0xFFFFFC40] =	vst v9;
	v1 =	vld [tilespmem:s21+$0x410];
	s28 =	sadd.s32 s0, s24  }
0x42: {  	[tilespmem:s28+$0x0] =	vst v3;
	v3 =	vld [tilespmem:s21+$0x3F0]  }
0x43: {  	s31 =	simm.s32 $0x100;
	[tilespmem:s22+$0xFFFFFC50] =	vst v10;
	v2 =	vld [tilespmem:s21+$0x420];
	s1 =	simm.s32 $0x80  }
0x44: {  	s29 =	sadd.s32 $0x80, s21;
	s30 =	smov.u32 s22;
	v7 =	vld [tilespmem:s21+$0xFFFFFFC0];
	[tilespmem:s22+$0xFFFFFC60] =	vst v11;
	s0 =	sand.u32 $0x300, s1  }
.LBB1_4:
0x45: {  	p1 =	sne.s32 s31, $0x380;
	v8 =	vld [tilespmem:s29+$0xFFFFFFD0];
	s1 =	sand.u32 $0x80, s1;
	s0 =	sadd.s32 s0, s23;
	[tilespmem:s30+$0x0] =	vst v6  }
0x46: {  	s0 =	sadd.s32 s1, s0;
	v6 =	vld [tilespmem:s29+$0x430];
	[tilespmem:s30+$0x10] =	vst v5;
	s1 =	smov.u32 s31  }
0x47: {  	v5 =	vld.idx.msk [tilespmem:v0+s0+$0x400 ss:$0x1], $0xffff;
	[tilespmem:s30+$0x20] =	vst v3  }
0x48: {  	v3 =	vld [tilespmem:s29+$0xFFFFFFE0];
	[tilespmem:s30+$0x30] =	vst v4  }
0x49: {  	v4 =	vld [tilespmem:s29+$0xFFFFFFF0];
	[tilespmem:s30+$0xFFFFFBF0] =	vst v7  }
0x4a: {  	v7 =	vld [tilespmem:s29+$0x0];
	[tilespmem:s30+$0x40] =	vst v1  }
0x4b: {  	v1 =	vld [tilespmem:s29+$0x10];
	[tilespmem:s30+$0x50] =	vst v2;
	s30 =	sadd.s32 $0x800, s30  }
0x4c: {  	s28 =	sadd.s32 $0x800, s28;
	v2 =	vld [tilespmem:s29+$0x20];
	[tilespmem:s30+$0x60] =	vst v6  }
0x4d: {  	v9 =	vld [tilespmem:s29+$0x30];
	[tilespmem:s28+$0x0] =	vst v5  }
0x4e: {  	[tilespmem:s30+$0xFFFFFC00] =	vst v8;
	v6 =	vld [tilespmem:s29+$0x3D0]  }
0x4f: {  	[tilespmem:s30+$0xFFFFFC10] =	vst v3;
	v5 =	vld [tilespmem:s29+$0x3E0]  }
.Ltmp3:
0x50: {  	[tilespmem:s30+$0xFFFFFC20] =	vst v4;
	v3 =	vld [tilespmem:s29+$0x3F0];
	(pc) =	sbr.rel @p1 .LBB1_4-.Ltmp3, $4  }
0x51: {  	[tilespmem:s30+$0xFFFFFC30] =	vst v7;
	v4 =	vld [tilespmem:s29+$0x400]  }
0x52: {  	[tilespmem:s30+$0xFFFFFC40] =	vst v1;
	v1 =	vld [tilespmem:s29+$0x410]  }
0x53: {  	[tilespmem:s30+$0xFFFFFC50] =	vst v2;
	v2 =	vld [tilespmem:s29+$0x420]  }
0x54: {  	s31 =	sadd.s32 $0x80, s31;
	s0 =	sand.u32 $0x300, s1;
	v7 =	vld [tilespmem:s29+$0xFFFFFFC0];
	[tilespmem:s30+$0xFFFFFC60] =	vst v9;
	s29 =	sadd.s32 $0x80, s29  }
0x55: {  	[tilespmem:s30+$0x0] =	vst v6  }
0x56: {  	[tilespmem:s30+$0x10] =	vst v5  }
0x57: {  	v49 =	vld [tilespmem:s29+$0x430];
	[tilespmem:s30+$0x20] =	vst v3  }
0x58: {  	v50 =	vld [tilespmem:s29+$0xFFFFFFD0];
	[tilespmem:s30+$0x30] =	vst v4  }
0x59: {  	v51 =	vld [tilespmem:s29+$0xFFFFFFE0];
	[tilespmem:s30+$0x40] =	vst v1  }
0x5a: {  	v52 =	vld [tilespmem:s29+$0xFFFFFFF0];
	[tilespmem:s30+$0x50] =	vst v2  }
0x5b: {  	v53 =	vld [tilespmem:s29+$0x0];
	[tilespmem:s30+$0xFFFFFBF0] =	vst v7;
	s30 =	sadd.s32 $0x800, s30  }
0x5c: {  	v54 =	vld [tilespmem:s29+$0x10];
	[tilespmem:s30+$0x60] =	vst v49  }
0x5d: {  	v55 =	vld [tilespmem:s29+$0x20];
	[tilespmem:s30+$0xFFFFFC00] =	vst v50  }
0x5e: {  	v56 =	vld [tilespmem:s29+$0x30];
	[tilespmem:s30+$0xFFFFFC10] =	vst v51  }
0x5f: {  	v57 =	vld [tilespmem:s29+$0x3D0];
	[tilespmem:s30+$0xFFFFFC20] =	vst v52  }
0x60: {  	v58 =	vld [tilespmem:s29+$0x3E0];
	[tilespmem:s30+$0xFFFFFC30] =	vst v53  }
0x61: {  	v59 =	vld [tilespmem:s29+$0x3F0];
	[tilespmem:s30+$0xFFFFFC40] =	vst v54  }
0x62: {  	v60 =	vld [tilespmem:s29+$0x400];
	[tilespmem:s30+$0xFFFFFC50] =	vst v55  }
0x63: {  	v61 =	vld [tilespmem:s29+$0xFFFFFFC0];
	[tilespmem:s30+$0xFFFFFC60] =	vst v56  }
0x64: {  	s1 =	sand.u32 $0x80, s1;
	s0 =	sadd.s32 s0, s23;
	v62 =	vld [tilespmem:s29+$0x410];
	[tilespmem:s30+$0x0] =	vst v57  }
0x65: {  	v63 =	vld [tilespmem:s29+$0x420];
	s27 =	sadd.s32 $0x1, s27;
	s0 =	sadd.s32 s1, s0;
	[tilespmem:s30+$0x10] =	vst v58  }
0x66: {  	p1 =	sne.s32 s27, $0x8;
	v0 =	vld.idx.msk [tilespmem:v0+s0+$0x400 ss:$0x1], $0xffff;
	[tilespmem:s30+$0x20] =	vst v59  }
.Ltmp4:
0x67: {  	[tilespmem:s30+$0x30] =	vst v60;
	(pc) =	sbr.rel @p1 .LBB1_3-.Ltmp4, $4  }
0x68: {  	[tilespmem:s30+$0xFFFFFBF0] =	vst v61  }
0x69: {  	[tilespmem:s30+$0x40] =	vst v62  }
0x6a: {  	s31 =	sadd.s32 $0x800, s28;
	s21 =	sadd.s32 $0x800, s21;
	[tilespmem:s30+$0x50] =	vst v63  }
0x6b: {  	s26 =	sadd.s32 $0x80, s26;
	p0 =	por !p0, !p0;
	s22 =	sadd.s32 $0x80, s22;
	[tilespmem:s31+$0x0] =	vst v0  }
0x6c: {  	s0 =	sshrl.u32 s19, $0x3  }
0x6d: {  	s1 =	sshll.u32 s18, $0x3;
	s0 =	smul.u32 $0x1800, s0  }
0x6e: {  	s24 =	sshll.u32 s19, $0x7;
	s1 =	sand.u32 $0xFFFFFC00, s1  }
0x6f: {  	s26 =	sand.u32 $0x380, s24;
	s0 =	sadd.s32 s0, s1  }
0x70: {  	s27 =	sand.u32 $0x7F, s18;
	s0 =	sor.u32 s26, s0  }
0x71: {  	s1 =	sor.u32 s27, s0;
	s0 =	smulhi.u32 $0xAAAAAAAB, s0;
	_ =	sdelay $0x1  }
0x72: {  	s17 =	smul.u32 $0x6C000, s17;
	s0 =	sshrl.u32 s0, $0x9  }
0x73: {  	s28 =	smulhi.u32 $0x71C71D, s0  }
0x74: {  	s18 =	smulhi.u32 $0xAAAAAAAB, s1  }
0x75: {  	s19 =	smul.u32 $0x240, s28  }
0x76: {  	s16 =	smul.u32 $0xD800, s16;
	s18 =	sshrl.u32 s18, $0x9  }
0x77: {  	s18 =	smul.u32 $0x300, s18;
	s0 =	ssub.s32 s0, s19  }
0x78: {  	s0 =	smul.u32 $0x60, s0  }
.Ltmp5:
0x79: {  	s17 =	sadd.s32 s3, s17;
	s1 =	ssub.s32 s1, s18;
	(pc) =	sbr.rel .LBB1_7-.Ltmp5, $4  }
0x7a: {  	s16 =	sadd.s32 s16, s17;
	s29 =	sand.u32 $0x7, s1  }
0x7b: {  	s1 =	sshrl.u32 s1, $0x3;
	s30 =	sshll.u32 s29, $0x12;
	s0 =	sadd.s32 s0, s16  }
0x7c: {  	s31 =	sor.u32 $0x800, s30;
	s0 =	sadd.s32 s1, s0  }
0x7d: {  	[hbm4b:s0+s31] =	stream.strided.scatter [tilespmem:s20], [sflag:$0x2], $0x4000, s9, s31, $0x38;
	[tilespmem:$0x10000] =	vst v63  }
.LBB1_8:
0x7e: {  	_ =	sfence.sel $0x180000  }
0x7f: {  	s0 =	simm.s32 $0x1;
	[bflag:$0x0] =	sbarrier.arrive $0xFFFF  }
0x80: {  	s30 =	simm.s32 $0x2;
	[sflag:s0] =	ssyncpa.u1 $0x1  }
0x81: {  	[sflag:s30] =	ssyncpa.u1 $0x1  }
0x82: {  	_ =	strace $0x9000004D  }
0x83: {  	s31 =	stileid.u32;
	[bflag:$0x2] =	sbarrier.arrive $0xFFFF  }
0x84: {  	p0 =	sne.s32 s31, $0x0;
	s0 =	rddreg [dreg:$0x2]  }
0x85: {  	s0 =	sadd.s32 @!p0 $0x100000, s0  }
0x86: {  	[sflag:s0] =	ssyncadd.tile.s32 @!p0 $0x1;
	_ =	shalt  }
.Lfunc_end1:
_tile_overlayer_lowered:
.L_overlay_start_2:
0x87: {  	(tag) =	ssettag $0x2  }
0x88: {  	s0 =	rddreg [dreg:$0x0];
	s2 =	stileid.u32  }
0x89: {  	s1 =	rddreg [dreg:$0x1];
	p0 =	sne.s32 s2, $0x0  }
0x8a: {  	s3 =	rddreg [dreg:$0x2];
	[bflag:$0x3] =	sbarrier.arrive $0xFFFF;
	s2 =	simm.s32 @!p0 $0x1C01  }
0x8b: {  	[timem:s3], [sflag:s2] =	dma.local @!p0 [hbm:s0], s1  }
0x8c: {  	s0 =	simm.s32 @!p0 $0x1  }
0x8d: {  	_ =	swait.ge @!p0 [sflag:s0], s1  }
0x8e: {  	s1 =	ssub.s32 @!p0 $0x0, s1;
	[sflag:s0] =	ssyncset.done @!p0 $0x0  }
0x8f: {  	[sflag:s0] =	ssyncadd.s32 @!p0 s1  }
0x90: {  	[bflag:$0x3] =	sbarrier.arrive $0xFFFF  }
0x91: {  	_ =	shalt  }

</sc_bundles>
